<compile_context>
chip_gen: v7x
topology: tpu7x:2x2x1
jax: 0.10.2.dev20260603
libtpu: 0.0.44.dev20260713+nightly
codegen_flags: <defaults>
</compile_context>

<pallas_src>
import functools

import jax
import jax.numpy as jnp
from jax import lax
from jax.experimental import pallas as pl
from jax.experimental.pallas import tpu as pltpu
from jax.experimental.pallas import tpu_sc as plsc


@functools.partial(jax.jit, static_argnames=("mode",))
def _sc_aggregate(x, src, dst, attr, mode):
    N, D = x.shape
    E = src.shape[0]
    info = plsc.get_sparse_core_info()
    NC, NS, L = info.num_cores, info.num_subcores, info.num_lanes
    NW = NC * NS
    EW = E // NW
    B = 80
    NB = EW // B
    RW = (N // NS) // 8 * 8
    TAIL = N - NS * RW
    assert EW * NW == E and NB * B == EW and 0 <= TAIL <= B and NB >= 8
    CD = D // L
    is_sum = mode == "sum"
    MAIN = (NB - 5) // 6 * 6

    mesh = plsc.VectorSubcoreMesh(core_axis_name="c", subcore_axis_name="s")

    scratch = [
        pltpu.VMEM((B,), jnp.int32),
        pltpu.VMEM((B,), jnp.int32),
        pltpu.VMEM((B,), jnp.int32),
        pltpu.VMEM((B, D), jnp.float32),
        pltpu.VMEM_SHARED((N, D), jnp.float32),
        pltpu.SemaphoreType.DMA,
        pltpu.SemaphoreType.DMA,
        pltpu.SemaphoreType.DMA,
        pltpu.SemaphoreType.DMA,
        pltpu.SemaphoreType.DMA,
    ]
    if is_sum:
        scratch += [
            pltpu.VMEM((B,), jnp.int32),
            pltpu.VMEM((B,), jnp.int32),
            pltpu.VMEM((B,), jnp.int32),
            pltpu.VMEM((B,), jnp.float32),
            pltpu.VMEM((B,), jnp.float32),
            pltpu.VMEM((B,), jnp.float32),
            pltpu.VMEM((B, D), jnp.float32),
            pltpu.VMEM((B, D), jnp.float32),
            pltpu.VMEM((B, D), jnp.float32),
            pltpu.SemaphoreType.DMA,
            pltpu.SemaphoreType.DMA,
        ]

    @functools.partial(
        pl.kernel,
        mesh=mesh,
        out_type=jax.ShapeDtypeStruct((NC, N, D), jnp.float32),
        scratch_types=tuple(scratch),
    )
    def agg(x_hbm, src_hbm, dst_hbm, attr_hbm, out_sums, *rest):
        if is_sum:
            (d0, d1, d2, rc0, accum, i0, i1, i2, s0, s1,
             f0, f1, f2, a0, a1, a2, rc1, rg0, rg1, g0, g1) = rest
            dst_b, src_b, attr_b = (d0, d1, d2), (f0, f1, f2), (a0, a1, a2)
            rowsc, rowsg = (rc0, rc1), (rg0, rg1)
            isem, ssem, gsem = (i0, i1, i2), (s0, s1), (g0, g1)
        else:
            (d0, d1, d2, rc0, accum, i0, i1, i2, s0, s1) = rest
            dst_b = (d0, d1, d2)
            rowsc = (rc0, rc0)
            isem, ssem = (i0, i1, i2), (s0, s1)

        cid = lax.axis_index("c")
        sid = lax.axis_index("s")
        wid = cid * NS + sid
        base_e = wid * EW

        zero16 = jnp.zeros((L,), jnp.float32)
        one16 = jnp.ones((L,), jnp.float32)

        def zrow(r, _):
            for c in range(CD):
                rc0[r, pl.ds(c * L, L)] = zero16
            return 0

        lax.fori_loop(0, B, zrow, 0)

        zsem = isem[0]
        for k in range(RW // B):
            pltpu.async_copy(rc0, accum.at[pl.ds(sid * RW + k * B, B)], zsem)
        rem = RW % B
        if rem:
            pltpu.async_copy(rc0.at[pl.ds(0, rem)],
                             accum.at[pl.ds(sid * RW + (RW // B) * B, rem)],
                             zsem)
        if TAIL:
            @pl.when(sid == 0)
            def _zero_tail():
                pltpu.async_copy(rc0.at[pl.ds(0, TAIL)],
                                 accum.at[pl.ds(NS * RW, TAIL)], zsem)
        for k in range(RW // B):
            pltpu.make_async_copy(
                rc0, accum.at[pl.ds(sid * RW + k * B, B)], zsem).wait()
        if rem:
            pltpu.make_async_copy(
                rc0.at[pl.ds(0, rem)],
                accum.at[pl.ds(sid * RW + (RW // B) * B, rem)], zsem).wait()
        if TAIL:
            @pl.when(sid == 0)
            def _drain_tail():
                pltpu.make_async_copy(
                    rc0.at[pl.ds(0, TAIL)],
                    accum.at[pl.ds(NS * RW, TAIL)], zsem).wait()

        if not is_sum:
            def orow(r, _):
                for c in range(CD):
                    rc0[r, pl.ds(c * L, L)] = one16
                return 0

            lax.fori_loop(0, B, orow, 0)

        plsc.subcore_barrier()

        inv_e = jnp.float32(1.0 / E)

        def issue_idx(kv, t):
            off = kv * B
            pltpu.async_copy(dst_hbm.at[pl.ds(base_e + off, B)],
                             dst_b[t], isem[t])
            if is_sum:
                pltpu.async_copy(src_hbm.at[pl.ds(base_e + off, B)],
                                 src_b[t], isem[t])
                pltpu.async_copy(attr_hbm.at[pl.ds(base_e + off, B)],
                                 attr_b[t], isem[t])

        def wait_idx(kv, t):
            off = kv * B
            pltpu.make_async_copy(dst_hbm.at[pl.ds(base_e + off, B)],
                                  dst_b[t], isem[t]).wait()
            if is_sum:
                pltpu.make_async_copy(src_hbm.at[pl.ds(base_e + off, B)],
                                      src_b[t], isem[t]).wait()
                pltpu.make_async_copy(attr_hbm.at[pl.ds(base_e + off, B)],
                                      attr_b[t], isem[t]).wait()

        def scale(p, r0):
            @plsc.parallel_loop(0, B // L, unroll=1)
            def sub_body(s):
                a16 = attr_b[r0][pl.ds(s * L, L)]
                w16 = inv_e / a16
                for j in range(L):
                    idx = jnp.full((L,), j, dtype=jnp.int32)
                    wj = lax.gather(
                        w16, idx[:, None],
                        lax.GatherDimensionNumbers(
                            offset_dims=(), collapsed_slice_dims=(0,),
                            start_index_map=(0,)),
                        (1,), mode=lax.GatherScatterMode.PROMISE_IN_BOUNDS)
                    e = s * L + j
                    for c in range(CD):
                        rowsc[p][e, pl.ds(c * L, L)] = (
                            rowsg[p][e, pl.ds(c * L, L)] * wj)

        def do_block(kv, k_static, first=False):
            p = k_static % 2
            q = 1 - p
            r0 = k_static % 3
            r1 = (k_static + 1) % 3
            r2 = (k_static + 2) % 3
            issue2 = (k_static + 2 <= NB - 1) if k_static >= MAIN else True
            issue1 = (k_static + 1 <= NB - 1) if k_static >= MAIN else True

            if not first:
                pltpu.make_async_copy(
                    rowsc[q], accum.at[dst_b[r2]], ssem[q]).wait()
            if issue2:
                issue_idx(kv + 2, r2)
            if is_sum:
                pltpu.make_async_copy(
                    x_hbm.at[src_b[r0]], rowsg[p], gsem[p]).wait()
            if issue1:
                wait_idx(kv + 1, r1)
                if is_sum:
                    pltpu.async_copy(x_hbm.at[src_b[r1]], rowsg[q], gsem[q])
            if is_sum:
                scale(p, r0)
            pltpu.async_copy(rowsc[p], accum.at[dst_b[r0]], ssem[p],
                             add=True)

        issue_idx(0, 0)
        issue_idx(1, 1)
        wait_idx(0, 0)
        if is_sum:
            pltpu.async_copy(x_hbm.at[src_b[0]], rowsg[0], gsem[0])
        do_block(0, 0, first=True)

        def main_body(i, _):
            for u in range(6):
                do_block(1 + i * 6 + u, 1 + u)
            return 0

        lax.fori_loop(0, MAIN // 6, main_body, 0)

        for k in range(MAIN + 1, NB):
            do_block(k, k)

        pltpu.make_async_copy(
            rowsc[(NB - 1) % 2], accum.at[dst_b[(NB - 1) % 3]],
            ssem[(NB - 1) % 2]).wait()

        plsc.subcore_barrier()

        pltpu.sync_copy(accum.at[pl.ds(sid * RW, RW)],
                        out_sums.at[cid, pl.ds(sid * RW, RW)])
        if TAIL:
            @pl.when(sid == 0)
            def _write_tail():
                pltpu.sync_copy(accum.at[pl.ds(NS * RW, TAIL)],
                                out_sums.at[cid, pl.ds(NS * RW, TAIL)])

    return agg(x, src, dst, attr)


def _tc_layer(x, sums, cnt, W, b):
    N, D = x.shape
    H = W.shape[0]
    BN = 2000
    b2d = b.reshape(1, H)

    def body(x_ref, p_ref, c_ref, w_ref, b_ref, o_ref):
        xa = x_ref[...]
        s = p_ref[0] + p_ref[1]
        c = (c_ref[0] + c_ref[1])[:, 0:1]
        aggr = s / jnp.maximum(c, 1.0)
        t = lax.dot_general(
            xa - aggr, w_ref[...],
            (((1,), (1,)), ((), ())),
            preferred_element_type=jnp.float32,
        )
        t = t + b_ref[...]
        o_ref[...] = jnp.maximum(t, 0.0)

    return pl.pallas_call(
        body,
        grid=(N // BN,),
        in_specs=[
            pl.BlockSpec((BN, D), lambda i: (i, 0)),
            pl.BlockSpec((2, BN, D), lambda i: (0, i, 0)),
            pl.BlockSpec((2, BN, D), lambda i: (0, i, 0)),
            pl.BlockSpec((H, D), lambda i: (0, 0)),
            pl.BlockSpec((1, H), lambda i: (0, 0)),
        ],
        out_specs=pl.BlockSpec((BN, H), lambda i: (i, 0)),
        out_shape=jax.ShapeDtypeStruct((N, H), jnp.float32),
    )(x, sums, cnt, W, b2d)


def kernel(x, edge_index, edge_attr, W1, b1, W2, b2):
    src = edge_index[0]
    dst = edge_index[1]
    cnt = _sc_aggregate(x, src, dst, edge_attr, "count")
    sums1 = _sc_aggregate(x, src, dst, edge_attr, "sum")
    h1 = _tc_layer(x, sums1, cnt, W1, b1)
    sums2 = _sc_aggregate(h1, src, dst, edge_attr, "sum")
    h2 = _tc_layer(h1, sums2, cnt, W2, b2)
    return h2

# --- scband reference (transcript-rebuilt; emitter-appended) ---
"""Pipeline reference for scband-grafiti-decoder-module-2576980378073 (READ-ONLY COPY).

The authoritative reference and input builder live on the scoring server;
editing this copy changes nothing except your own understanding.
"""

import jax, jax.numpy as jnp
import numpy as np

N = 10000
E = 320000
D = 128
H = 128


def setup_inputs(seed: int = 0) -> dict:
    key = jax.random.key(seed)
    k1, k2, k3, k4, k5, k6, k7 = jax.random.split(key, 7)
    x = jax.random.normal(k1, (N, D), dtype=jnp.float32)
    edge_index = jax.random.randint(k2, (2, E), 0, N, dtype=jnp.int32)
    edge_attr = jax.random.uniform(k3, (E,), dtype=jnp.float32)
    # Linear layer params (PyTorch default init scale ~ 1/sqrt(fan_in))
    W1 = jax.random.uniform(k4, (H, D), dtype=jnp.float32, minval=-1.0, maxval=1.0) / np.sqrt(D)
    b1 = jax.random.uniform(k5, (H,), dtype=jnp.float32, minval=-1.0, maxval=1.0) / np.sqrt(D)
    W2 = jax.random.uniform(k6, (H, H), dtype=jnp.float32, minval=-1.0, maxval=1.0) / np.sqrt(H)
    b2 = jax.random.uniform(k7, (H,), dtype=jnp.float32, minval=-1.0, maxval=1.0) / np.sqrt(H)
    return {"x": x, "edge_index": edge_index, "edge_attr": edge_attr,
            "W1": W1, "b1": b1, "W2": W2, "b2": b2}


def _layer(x, edge_index, edge_attr, W, b):
    src = edge_index[0]
    dst = edge_index[1]
    # message: x_j gathered from source nodes
    x_j = jnp.take(x, src, axis=0)
    degree = x_j.shape[0]  # = E, matches x_j.size(0) in torch
    msg = (x_j / edge_attr[:, None]) / degree
    # aggregate: scatter_mean over destination index
    sums = jax.ops.segment_sum(msg, dst, num_segments=N)
    cnt = jax.ops.segment_sum(jnp.ones((msg.shape[0],), dtype=msg.dtype), dst, num_segments=N)
    aggr = sums / jnp.maximum(cnt, 1.0)[:, None]
    t = x - aggr
    t = t @ W.T + b
    return jax.nn.leaky_relu(t, negative_slope=0.01)


def reference(x, edge_index, edge_attr, W1, b1, W2, b2):
    h = jax.nn.relu(_layer(x, edge_index, edge_attr, W1, b1))
    h = jax.nn.relu(_layer(h, edge_index, edge_attr, W2, b2))
    return h

if __name__ == "__main__":
    import jax
    _d = setup_inputs()
    print(jax.jit(kernel)(*tuple(_d.values())))

</pallas_src>

<mosaic_0001>
#map = affine_map<(d0, d1) -> (0, 0)>
#map1 = affine_map<(d0, d1) -> (0)>
#map2 = affine_map<(d0, d1) -> (0, 0, 0)>
module attributes {stable_mosaic.version = 14 : i64} {
  func.func @agg(%arg0: i32, %arg1: i32, %arg2: memref<10000x128xf32, #tpu.memory_space<hbm>>, %arg3: memref<320000xi32, #tpu.memory_space<hbm>>, %arg4: memref<320000xi32, #tpu.memory_space<hbm>>, %arg5: memref<320000xf32, #tpu.memory_space<hbm>>, %arg6: memref<2x10000x128xf32, #tpu.memory_space<hbm>>, %arg7: memref<80xi32, #tpu.memory_space<vmem>>, %arg8: memref<80xi32, #tpu.memory_space<vmem>>, %arg9: memref<80xi32, #tpu.memory_space<vmem>>, %arg10: memref<80x128xf32, #tpu.memory_space<vmem>>, %arg11: memref<10000x128xf32, #tpu.memory_space<vmem_shared>>, %arg12: memref<!tpu.dma_semaphore, #tpu.memory_space<semaphore_mem>>, %arg13: memref<!tpu.dma_semaphore, #tpu.memory_space<semaphore_mem>>, %arg14: memref<!tpu.dma_semaphore, #tpu.memory_space<semaphore_mem>>, %arg15: memref<!tpu.dma_semaphore, #tpu.memory_space<semaphore_mem>>, %arg16: memref<!tpu.dma_semaphore, #tpu.memory_space<semaphore_mem>>) attributes {dimension_semantics = [#tpu.dimension_semantics<core_parallel>, #tpu.dimension_semantics<subcore_parallel>], iteration_bounds = array<i64: 2, 16>, scalar_prefetch = 0 : i64, scratch_operands = 10 : i64, tpu.core_type = #tpu.core_type<sc_vector_subcore>, window_params = [{transform_indices = #map}, {transform_indices = #map1}, {transform_indices = #map1}, {transform_indices = #map1}, {transform_indices = #map2}]} {
    %mul3A = arith.constant 16 : i32
    %mul3A_0 = arith.muli %arg0, %mul3A : i32
    %add3A = arith.addi %mul3A_0, %arg1 : i32
    %mul3A_1 = arith.constant 10000 : i32
    %mul3A_2 = arith.muli %add3A, %mul3A_1 : i32
    %broadcast_in_dim3A = arith.constant 0.000000e+00 : f32
    %broadcast_in_dim3A_3 = vector.broadcast %broadcast_in_dim3A : f32 to vector<16xf32>
    %broadcast_in_dim3A_4 = arith.constant 1.000000e+00 : f32
    %broadcast_in_dim3A_5 = vector.broadcast %broadcast_in_dim3A_4 : f32 to vector<16xf32>
    %scan3A = arith.constant 0 : i32
    %scan3A_6 = arith.constant 0 : i32
    %scan3A_7 = arith.constant 80 : i32
    %scan3A_8 = arith.addi %scan3A_6, %scan3A_7 : i32
    %scan3A_9 = arith.constant 1 : i32
    %scan3A_10 = scf.for %scan3A_251 = %scan3A_6 to %scan3A_8 step %scan3A_9 iter_args(%scan3A_252 = %scan3A) -> (i32)  : i32 {
      %swap3A = arith.index_cast %scan3A_251 : i32 to index
      %swap3A_253 = arith.constant 0 : index
      %swap3A_254 = tpu.vector_load %arg10[%swap3A, %swap3A_253] {strides = array<i32>} : memref<80x128xf32, #tpu.memory_space<vmem>>, vector<1x16xf32>,
      %swap3A_255 = vector.shape_cast %swap3A_254 : vector<1x16xf32> to vector<16xf32>
      %swap3A_256 = vector.shape_cast %broadcast_in_dim3A_3 : vector<16xf32> to vector<1x16xf32>
      tpu.vector_store %arg10[%swap3A, %swap3A_253], %swap3A_256 {strides = array<i32>} : memref<80x128xf32, #tpu.memory_space<vmem>>, vector<1x16xf32>,
      %swap3A_257 = arith.index_cast %scan3A_251 : i32 to index
      %swap3A_258 = arith.constant 16 : index
      %swap3A_259 = tpu.vector_load %arg10[%swap3A_257, %swap3A_258] {strides = array<i32>} : memref<80x128xf32, #tpu.memory_space<vmem>>, vector<1x16xf32>,
      %swap3A_260 = vector.shape_cast %swap3A_259 : vector<1x16xf32> to vector<16xf32>
      %swap3A_261 = vector.shape_cast %broadcast_in_dim3A_3 : vector<16xf32> to vector<1x16xf32>
      tpu.vector_store %arg10[%swap3A_257, %swap3A_258], %swap3A_261 {strides = array<i32>} : memref<80x128xf32, #tpu.memory_space<vmem>>, vector<1x16xf32>,
      %swap3A_262 = arith.index_cast %scan3A_251 : i32 to index
      %swap3A_263 = arith.constant 32 : index
      %swap3A_264 = tpu.vector_load %arg10[%swap3A_262, %swap3A_263] {strides = array<i32>} : memref<80x128xf32, #tpu.memory_space<vmem>>, vector<1x16xf32>,
      %swap3A_265 = vector.shape_cast %swap3A_264 : vector<1x16xf32> to vector<16xf32>
      %swap3A_266 = vector.shape_cast %broadcast_in_dim3A_3 : vector<16xf32> to vector<1x16xf32>
      tpu.vector_store %arg10[%swap3A_262, %swap3A_263], %swap3A_266 {strides = array<i32>} : memref<80x128xf32, #tpu.memory_space<vmem>>, vector<1x16xf32>,
      %swap3A_267 = arith.index_cast %scan3A_251 : i32 to index
      %swap3A_268 = arith.constant 48 : index
      %swap3A_269 = tpu.vector_load %arg10[%swap3A_267, %swap3A_268] {strides = array<i32>} : memref<80x128xf32, #tpu.memory_space<vmem>>, vector<1x16xf32>,
      %swap3A_270 = vector.shape_cast %swap3A_269 : vector<1x16xf32> to vector<16xf32>
      %swap3A_271 = vector.shape_cast %broadcast_in_dim3A_3 : vector<16xf32> to vector<1x16xf32>
      tpu.vector_store %arg10[%swap3A_267, %swap3A_268], %swap3A_271 {strides = array<i32>} : memref<80x128xf32, #tpu.memory_space<vmem>>, vector<1x16xf32>,
      %swap3A_272 = arith.index_cast %scan3A_251 : i32 to index
      %swap3A_273 = arith.constant 64 : index
      %swap3A_274 = tpu.vector_load %arg10[%swap3A_272, %swap3A_273] {strides = array<i32>} : memref<80x128xf32, #tpu.memory_space<vmem>>, vector<1x16xf32>,
      %swap3A_275 = vector.shape_cast %swap3A_274 : vector<1x16xf32> to vector<16xf32>
      %swap3A_276 = vector.shape_cast %broadcast_in_dim3A_3 : vector<16xf32> to vector<1x16xf32>
      tpu.vector_store %arg10[%swap3A_272, %swap3A_273], %swap3A_276 {strides = array<i32>} : memref<80x128xf32, #tpu.memory_space<vmem>>, vector<1x16xf32>,
      %swap3A_277 = arith.index_cast %scan3A_251 : i32 to index
      %swap3A_278 = arith.constant 80 : index
      %swap3A_279 = tpu.vector_load %arg10[%swap3A_277, %swap3A_278] {strides = array<i32>} : memref<80x128xf32, #tpu.memory_space<vmem>>, vector<1x16xf32>,
      %swap3A_280 = vector.shape_cast %swap3A_279 : vector<1x16xf32> to vector<16xf32>
      %swap3A_281 = vector.shape_cast %broadcast_in_dim3A_3 : vector<16xf32> to vector<1x16xf32>
      tpu.vector_store %arg10[%swap3A_277, %swap3A_278], %swap3A_281 {strides = array<i32>} : memref<80x128xf32, #tpu.memory_space<vmem>>, vector<1x16xf32>,
      %swap3A_282 = arith.index_cast %scan3A_251 : i32 to index
      %swap3A_283 = arith.constant 96 : index
      %swap3A_284 = tpu.vector_load %arg10[%swap3A_282, %swap3A_283] {strides = array<i32>} : memref<80x128xf32, #tpu.memory_space<vmem>>, vector<1x16xf32>,
      %swap3A_285 = vector.shape_cast %swap3A_284 : vector<1x16xf32> to vector<16xf32>
      %swap3A_286 = vector.shape_cast %broadcast_in_dim3A_3 : vector<16xf32> to vector<1x16xf32>
      tpu.vector_store %arg10[%swap3A_282, %swap3A_283], %swap3A_286 {strides = array<i32>} : memref<80x128xf32, #tpu.memory_space<vmem>>, vector<1x16xf32>,
      %swap3A_287 = arith.index_cast %scan3A_251 : i32 to index
      %swap3A_288 = arith.constant 112 : index
      %swap3A_289 = tpu.vector_load %arg10[%swap3A_287, %swap3A_288] {strides = array<i32>} : memref<80x128xf32, #tpu.memory_space<vmem>>, vector<1x16xf32>,
      %swap3A_290 = vector.shape_cast %swap3A_289 : vector<1x16xf32> to vector<16xf32>
      %swap3A_291 = vector.shape_cast %broadcast_in_dim3A_3 : vector<16xf32> to vector<1x16xf32>
      tpu.vector_store %arg10[%swap3A_287, %swap3A_288], %swap3A_291 {strides = array<i32>} : memref<80x128xf32, #tpu.memory_space<vmem>>, vector<1x16xf32>,
      %scan3A_292 = arith.constant 0 : i32
      scf.yield %scan3A_292 : i32
    }
    %scan3A_11 = arith.constant 80 : i32
    %mul3A_12 = arith.constant 624 : i32
    %mul3A_13 = arith.muli %arg1, %mul3A_12 : i32
    %add3A_14 = arith.constant 0 : i32
    %add3A_15 = arith.addi %mul3A_13, %add3A_14 : i32
    %dma_start3A = arith.constant 0 : i32
    %dma_start3A_16 = tpu.memref_slice %arg11[%add3A_15, %dma_start3A] : memref<10000x128xf32, #tpu.memory_space<vmem_shared>> -> memref<80x128xf32, #tpu.memory_space<vmem_shared>>
    %dma_start3A_17 = arith.constant 0 : i32
    %dma_start3A_18 = tpu.memref_slice %arg11[%add3A_15, %dma_start3A_17] : memref<10000x128xf32, #tpu.memory_space<vmem_shared>> -> memref<80x128xf32, #tpu.memory_space<vmem_shared>>
    tpu.enqueue_dma source(%arg10 : memref<80x128xf32, #tpu.memory_space<vmem>>) target(%dma_start3A_18 : memref<80x128xf32, #tpu.memory_space<vmem_shared>>) target_semaphore(%arg12 : memref<!tpu.dma_semaphore, #tpu.memory_space<semaphore_mem>>)
    %mul3A_19 = arith.constant 624 : i32
    %mul3A_20 = arith.muli %arg1, %mul3A_19 : i32
    %add3A_21 = arith.constant 80 : i32
    %add3A_22 = arith.addi %mul3A_20, %add3A_21 : i32
    %dma_start3A_23 = arith.constant 0 : i32
    %dma_start3A_24 = tpu.memref_slice %arg11[%add3A_22, %dma_start3A_23] : memref<10000x128xf32, #tpu.memory_space<vmem_shared>> -> memref<80x128xf32, #tpu.memory_space<vmem_shared>>
    %dma_start3A_25 = arith.constant 0 : i32
    %dma_start3A_26 = tpu.memref_slice %arg11[%add3A_22, %dma_start3A_25] : memref<10000x128xf32, #tpu.memory_space<vmem_shared>> -> memref<80x128xf32, #tpu.memory_space<vmem_shared>>
    tpu.enqueue_dma source(%arg10 : memref<80x128xf32, #tpu.memory_space<vmem>>) target(%dma_start3A_26 : memref<80x128xf32, #tpu.memory_space<vmem_shared>>) target_semaphore(%arg12 : memref<!tpu.dma_semaphore, #tpu.memory_space<semaphore_mem>>)
    %mul3A_27 = arith.constant 624 : i32
    %mul3A_28 = arith.muli %arg1, %mul3A_27 : i32
    %add3A_29 = arith.constant 160 : i32
    %add3A_30 = arith.addi %mul3A_28, %add3A_29 : i32
    %dma_start3A_31 = arith.constant 0 : i32
    %dma_start3A_32 = tpu.memref_slice %arg11[%add3A_30, %dma_start3A_31] : memref<10000x128xf32, #tpu.memory_space<vmem_shared>> -> memref<80x128xf32, #tpu.memory_space<vmem_shared>>
    %dma_start3A_33 = arith.constant 0 : i32
    %dma_start3A_34 = tpu.memref_slice %arg11[%add3A_30, %dma_start3A_33] : memref<10000x128xf32, #tpu.memory_space<vmem_shared>> -> memref<80x128xf32, #tpu.memory_space<vmem_shared>>
    tpu.enqueue_dma source(%arg10 : memref<80x128xf32, #tpu.memory_space<vmem>>) target(%dma_start3A_34 : memref<80x128xf32, #tpu.memory_space<vmem_shared>>) target_semaphore(%arg12 : memref<!tpu.dma_semaphore, #tpu.memory_space<semaphore_mem>>)
    %mul3A_35 = arith.constant 624 : i32
    %mul3A_36 = arith.muli %arg1, %mul3A_35 : i32
    %add3A_37 = arith.constant 240 : i32
    %add3A_38 = arith.addi %mul3A_36, %add3A_37 : i32
    %dma_start3A_39 = arith.constant 0 : i32
    %dma_start3A_40 = tpu.memref_slice %arg11[%add3A_38, %dma_start3A_39] : memref<10000x128xf32, #tpu.memory_space<vmem_shared>> -> memref<80x128xf32, #tpu.memory_space<vmem_shared>>
    %dma_start3A_41 = arith.constant 0 : i32
    %dma_start3A_42 = tpu.memref_slice %arg11[%add3A_38, %dma_start3A_41] : memref<10000x128xf32, #tpu.memory_space<vmem_shared>> -> memref<80x128xf32, #tpu.memory_space<vmem_shared>>
    tpu.enqueue_dma source(%arg10 : memref<80x128xf32, #tpu.memory_space<vmem>>) target(%dma_start3A_42 : memref<80x128xf32, #tpu.memory_space<vmem_shared>>) target_semaphore(%arg12 : memref<!tpu.dma_semaphore, #tpu.memory_space<semaphore_mem>>)
    %mul3A_43 = arith.constant 624 : i32
    %mul3A_44 = arith.muli %arg1, %mul3A_43 : i32
    %add3A_45 = arith.constant 320 : i32
    %add3A_46 = arith.addi %mul3A_44, %add3A_45 : i32
    %dma_start3A_47 = arith.constant 0 : i32
    %dma_start3A_48 = tpu.memref_slice %arg11[%add3A_46, %dma_start3A_47] : memref<10000x128xf32, #tpu.memory_space<vmem_shared>> -> memref<80x128xf32, #tpu.memory_space<vmem_shared>>
    %dma_start3A_49 = arith.constant 0 : i32
    %dma_start3A_50 = tpu.memref_slice %arg11[%add3A_46, %dma_start3A_49] : memref<10000x128xf32, #tpu.memory_space<vmem_shared>> -> memref<80x128xf32, #tpu.memory_space<vmem_shared>>
    tpu.enqueue_dma source(%arg10 : memref<80x128xf32, #tpu.memory_space<vmem>>) target(%dma_start3A_50 : memref<80x128xf32, #tpu.memory_space<vmem_shared>>) target_semaphore(%arg12 : memref<!tpu.dma_semaphore, #tpu.memory_space<semaphore_mem>>)
    %mul3A_51 = arith.constant 624 : i32
    %mul3A_52 = arith.muli %arg1, %mul3A_51 : i32
    %add3A_53 = arith.constant 400 : i32
    %add3A_54 = arith.addi %mul3A_52, %add3A_53 : i32
    %dma_start3A_55 = arith.constant 0 : i32
    %dma_start3A_56 = tpu.memref_slice %arg11[%add3A_54, %dma_start3A_55] : memref<10000x128xf32, #tpu.memory_space<vmem_shared>> -> memref<80x128xf32, #tpu.memory_space<vmem_shared>>
    %dma_start3A_57 = arith.constant 0 : i32
    %dma_start3A_58 = tpu.memref_slice %arg11[%add3A_54, %dma_start3A_57] : memref<10000x128xf32, #tpu.memory_space<vmem_shared>> -> memref<80x128xf32, #tpu.memory_space<vmem_shared>>
    tpu.enqueue_dma source(%arg10 : memref<80x128xf32, #tpu.memory_space<vmem>>) target(%dma_start3A_58 : memref<80x128xf32, #tpu.memory_space<vmem_shared>>) target_semaphore(%arg12 : memref<!tpu.dma_semaphore, #tpu.memory_space<semaphore_mem>>)
    %mul3A_59 = arith.constant 624 : i32
    %mul3A_60 = arith.muli %arg1, %mul3A_59 : i32
    %add3A_61 = arith.constant 480 : i32
    %add3A_62 = arith.addi %mul3A_60, %add3A_61 : i32
    %dma_start3A_63 = arith.constant 0 : i32
    %dma_start3A_64 = tpu.memref_slice %arg11[%add3A_62, %dma_start3A_63] : memref<10000x128xf32, #tpu.memory_space<vmem_shared>> -> memref<80x128xf32, #tpu.memory_space<vmem_shared>>
    %dma_start3A_65 = arith.constant 0 : i32
    %dma_start3A_66 = tpu.memref_slice %arg11[%add3A_62, %dma_start3A_65] : memref<10000x128xf32, #tpu.memory_space<vmem_shared>> -> memref<80x128xf32, #tpu.memory_space<vmem_shared>>
    tpu.enqueue_dma source(%arg10 : memref<80x128xf32, #tpu.memory_space<vmem>>) target(%dma_start3A_66 : memref<80x128xf32, #tpu.memory_space<vmem_shared>>) target_semaphore(%arg12 : memref<!tpu.dma_semaphore, #tpu.memory_space<semaphore_mem>>)
    %mul3A_67 = arith.constant 624 : i32
    %mul3A_68 = arith.muli %arg1, %mul3A_67 : i32
    %add3A_69 = arith.constant 560 : i32
    %add3A_70 = arith.addi %mul3A_68, %add3A_69 : i32
    %dma_start3A_71 = arith.constant 0 : i32
    %dma_start3A_72 = arith.constant 0 : i32
    %dma_start3A_73 = tpu.memref_slice %arg10[%dma_start3A_71, %dma_start3A_72] : memref<80x128xf32, #tpu.memory_space<vmem>> -> memref<64x128xf32, #tpu.memory_space<vmem>>
    %dma_start3A_74 = arith.constant 0 : i32
    %dma_start3A_75 = tpu.memref_slice %arg11[%add3A_70, %dma_start3A_74] : memref<10000x128xf32, #tpu.memory_space<vmem_shared>> -> memref<64x128xf32, #tpu.memory_space<vmem_shared>>
    %dma_start3A_76 = arith.constant 0 : i32
    %dma_start3A_77 = tpu.memref_slice %arg11[%add3A_70, %dma_start3A_76] : memref<10000x128xf32, #tpu.memory_space<vmem_shared>> -> memref<64x128xf32, #tpu.memory_space<vmem_shared>>
    %dma_start3A_78 = arith.constant 0 : i32
    %dma_start3A_79 = arith.constant 0 : i32
    %dma_start3A_80 = tpu.memref_slice %arg10[%dma_start3A_78, %dma_start3A_79] : memref<80x128xf32, #tpu.memory_space<vmem>> -> memref<64x128xf32, #tpu.memory_space<vmem>>
    tpu.enqueue_dma source(%dma_start3A_80 : memref<64x128xf32, #tpu.memory_space<vmem>>) target(%dma_start3A_77 : memref<64x128xf32, #tpu.memory_space<vmem_shared>>) target_semaphore(%arg12 : memref<!tpu.dma_semaphore, #tpu.memory_space<semaphore_mem>>)
    %eq3A = arith.constant 0 : i32
    %eq3A_81 = arith.cmpi eq, %arg1, %eq3A : i32
    %convert_element_type3A = arith.extui %eq3A_81 : i1 to i32
    %cond3A = arith.constant 0 : i32
    %cond3A_82 = arith.cmpi ne, %convert_element_type3A, %cond3A : i32
    scf.if %cond3A_82 {
      %dma_start3A_251 = arith.constant 0 : i32
      %dma_start3A_252 = arith.constant 0 : i32
      %dma_start3A_253 = tpu.memref_slice %arg10[%dma_start3A_251, %dma_start3A_252] : memref<80x128xf32, #tpu.memory_space<vmem>> -> memref<16x128xf32, #tpu.memory_space<vmem>>
      %dma_start3A_254 = arith.constant 9984 : i32
      %dma_start3A_255 = arith.constant 0 : i32
      %dma_start3A_256 = tpu.memref_slice %arg11[%dma_start3A_254, %dma_start3A_255] : memref<10000x128xf32, #tpu.memory_space<vmem_shared>> -> memref<16x128xf32, #tpu.memory_space<vmem_shared>>
      %dma_start3A_257 = arith.constant 9984 : i32
      %dma_start3A_258 = arith.constant 0 : i32
      %dma_start3A_259 = tpu.memref_slice %arg11[%dma_start3A_257, %dma_start3A_258] : memref<10000x128xf32, #tpu.memory_space<vmem_shared>> -> memref<16x128xf32, #tpu.memory_space<vmem_shared>>
      %dma_start3A_260 = arith.constant 0 : i32
      %dma_start3A_261 = arith.constant 0 : i32
      %dma_start3A_262 = tpu.memref_slice %arg10[%dma_start3A_260, %dma_start3A_261] : memref<80x128xf32, #tpu.memory_space<vmem>> -> memref<16x128xf32, #tpu.memory_space<vmem>>
      tpu.enqueue_dma source(%dma_start3A_262 : memref<16x128xf32, #tpu.memory_space<vmem>>) target(%dma_start3A_259 : memref<16x128xf32, #tpu.memory_space<vmem_shared>>) target_semaphore(%arg12 : memref<!tpu.dma_semaphore, #tpu.memory_space<semaphore_mem>>)
    } else {
    }
    %mul3A_83 = arith.constant 624 : i32
    %mul3A_84 = arith.muli %arg1, %mul3A_83 : i32
    %add3A_85 = arith.constant 0 : i32
    %add3A_86 = arith.addi %mul3A_84, %add3A_85 : i32
    %dma_wait3A = arith.constant 0 : i32
    %dma_wait3A_87 = tpu.memref_slice %arg11[%add3A_86, %dma_wait3A] : memref<10000x128xf32, #tpu.memory_space<vmem_shared>> -> memref<80x128xf32, #tpu.memory_space<vmem_shared>>
    %dma_wait3A_88 = arith.constant 0 : i32
    %dma_wait3A_89 = tpu.memref_slice %arg11[%add3A_86, %dma_wait3A_88] : memref<10000x128xf32, #tpu.memory_space<vmem_shared>> -> memref<80x128xf32, #tpu.memory_space<vmem_shared>>
    tpu.wait_dma2 semaphore(%arg12 : memref<!tpu.dma_semaphore, #tpu.memory_space<semaphore_mem>>) src(%arg10 : memref<80x128xf32, #tpu.memory_space<vmem>>) dst(%dma_wait3A_89 : memref<80x128xf32, #tpu.memory_space<vmem_shared>>)
    %mul3A_90 = arith.constant 624 : i32
    %mul3A_91 = arith.muli %arg1, %mul3A_90 : i32
    %add3A_92 = arith.constant 80 : i32
    %add3A_93 = arith.addi %mul3A_91, %add3A_92 : i32
    %dma_wait3A_94 = arith.constant 0 : i32
    %dma_wait3A_95 = tpu.memref_slice %arg11[%add3A_93, %dma_wait3A_94] : memref<10000x128xf32, #tpu.memory_space<vmem_shared>> -> memref<80x128xf32, #tpu.memory_space<vmem_shared>>
    %dma_wait3A_96 = arith.constant 0 : i32
    %dma_wait3A_97 = tpu.memref_slice %arg11[%add3A_93, %dma_wait3A_96] : memref<10000x128xf32, #tpu.memory_space<vmem_shared>> -> memref<80x128xf32, #tpu.memory_space<vmem_shared>>
    tpu.wait_dma2 semaphore(%arg12 : memref<!tpu.dma_semaphore, #tpu.memory_space<semaphore_mem>>) src(%arg10 : memref<80x128xf32, #tpu.memory_space<vmem>>) dst(%dma_wait3A_97 : memref<80x128xf32, #tpu.memory_space<vmem_shared>>)
    %mul3A_98 = arith.constant 624 : i32
    %mul3A_99 = arith.muli %arg1, %mul3A_98 : i32
    %add3A_100 = arith.constant 160 : i32
    %add3A_101 = arith.addi %mul3A_99, %add3A_100 : i32
    %dma_wait3A_102 = arith.constant 0 : i32
    %dma_wait3A_103 = tpu.memref_slice %arg11[%add3A_101, %dma_wait3A_102] : memref<10000x128xf32, #tpu.memory_space<vmem_shared>> -> memref<80x128xf32, #tpu.memory_space<vmem_shared>>
    %dma_wait3A_104 = arith.constant 0 : i32
    %dma_wait3A_105 = tpu.memref_slice %arg11[%add3A_101, %dma_wait3A_104] : memref<10000x128xf32, #tpu.memory_space<vmem_shared>> -> memref<80x128xf32, #tpu.memory_space<vmem_shared>>
    tpu.wait_dma2 semaphore(%arg12 : memref<!tpu.dma_semaphore, #tpu.memory_space<semaphore_mem>>) src(%arg10 : memref<80x128xf32, #tpu.memory_space<vmem>>) dst(%dma_wait3A_105 : memref<80x128xf32, #tpu.memory_space<vmem_shared>>)
    %mul3A_106 = arith.constant 624 : i32
    %mul3A_107 = arith.muli %arg1, %mul3A_106 : i32
    %add3A_108 = arith.constant 240 : i32
    %add3A_109 = arith.addi %mul3A_107, %add3A_108 : i32
    %dma_wait3A_110 = arith.constant 0 : i32
    %dma_wait3A_111 = tpu.memref_slice %arg11[%add3A_109, %dma_wait3A_110] : memref<10000x128xf32, #tpu.memory_space<vmem_shared>> -> memref<80x128xf32, #tpu.memory_space<vmem_shared>>
    %dma_wait3A_112 = arith.constant 0 : i32
    %dma_wait3A_113 = tpu.memref_slice %arg11[%add3A_109, %dma_wait3A_112] : memref<10000x128xf32, #tpu.memory_space<vmem_shared>> -> memref<80x128xf32, #tpu.memory_space<vmem_shared>>
    tpu.wait_dma2 semaphore(%arg12 : memref<!tpu.dma_semaphore, #tpu.memory_space<semaphore_mem>>) src(%arg10 : memref<80x128xf32, #tpu.memory_space<vmem>>) dst(%dma_wait3A_113 : memref<80x128xf32, #tpu.memory_space<vmem_shared>>)
    %mul3A_114 = arith.constant 624 : i32
    %mul3A_115 = arith.muli %arg1, %mul3A_114 : i32
    %add3A_116 = arith.constant 320 : i32
    %add3A_117 = arith.addi %mul3A_115, %add3A_116 : i32
    %dma_wait3A_118 = arith.constant 0 : i32
    %dma_wait3A_119 = tpu.memref_slice %arg11[%add3A_117, %dma_wait3A_118] : memref<10000x128xf32, #tpu.memory_space<vmem_shared>> -> memref<80x128xf32, #tpu.memory_space<vmem_shared>>
    %dma_wait3A_120 = arith.constant 0 : i32
    %dma_wait3A_121 = tpu.memref_slice %arg11[%add3A_117, %dma_wait3A_120] : memref<10000x128xf32, #tpu.memory_space<vmem_shared>> -> memref<80x128xf32, #tpu.memory_space<vmem_shared>>
    tpu.wait_dma2 semaphore(%arg12 : memref<!tpu.dma_semaphore, #tpu.memory_space<semaphore_mem>>) src(%arg10 : memref<80x128xf32, #tpu.memory_space<vmem>>) dst(%dma_wait3A_121 : memref<80x128xf32, #tpu.memory_space<vmem_shared>>)
    %mul3A_122 = arith.constant 624 : i32
    %mul3A_123 = arith.muli %arg1, %mul3A_122 : i32
    %add3A_124 = arith.constant 400 : i32
    %add3A_125 = arith.addi %mul3A_123, %add3A_124 : i32
    %dma_wait3A_126 = arith.constant 0 : i32
    %dma_wait3A_127 = tpu.memref_slice %arg11[%add3A_125, %dma_wait3A_126] : memref<10000x128xf32, #tpu.memory_space<vmem_shared>> -> memref<80x128xf32, #tpu.memory_space<vmem_shared>>
    %dma_wait3A_128 = arith.constant 0 : i32
    %dma_wait3A_129 = tpu.memref_slice %arg11[%add3A_125, %dma_wait3A_128] : memref<10000x128xf32, #tpu.memory_space<vmem_shared>> -> memref<80x128xf32, #tpu.memory_space<vmem_shared>>
    tpu.wait_dma2 semaphore(%arg12 : memref<!tpu.dma_semaphore, #tpu.memory_space<semaphore_mem>>) src(%arg10 : memref<80x128xf32, #tpu.memory_space<vmem>>) dst(%dma_wait3A_129 : memref<80x128xf32, #tpu.memory_space<vmem_shared>>)
    %mul3A_130 = arith.constant 624 : i32
    %mul3A_131 = arith.muli %arg1, %mul3A_130 : i32
    %add3A_132 = arith.constant 480 : i32
    %add3A_133 = arith.addi %mul3A_131, %add3A_132 : i32
    %dma_wait3A_134 = arith.constant 0 : i32
    %dma_wait3A_135 = tpu.memref_slice %arg11[%add3A_133, %dma_wait3A_134] : memref<10000x128xf32, #tpu.memory_space<vmem_shared>> -> memref<80x128xf32, #tpu.memory_space<vmem_shared>>
    %dma_wait3A_136 = arith.constant 0 : i32
    %dma_wait3A_137 = tpu.memref_slice %arg11[%add3A_133, %dma_wait3A_136] : memref<10000x128xf32, #tpu.memory_space<vmem_shared>> -> memref<80x128xf32, #tpu.memory_space<vmem_shared>>
    tpu.wait_dma2 semaphore(%arg12 : memref<!tpu.dma_semaphore, #tpu.memory_space<semaphore_mem>>) src(%arg10 : memref<80x128xf32, #tpu.memory_space<vmem>>) dst(%dma_wait3A_137 : memref<80x128xf32, #tpu.memory_space<vmem_shared>>)
    %mul3A_138 = arith.constant 624 : i32
    %mul3A_139 = arith.muli %arg1, %mul3A_138 : i32
    %add3A_140 = arith.constant 560 : i32
    %add3A_141 = arith.addi %mul3A_139, %add3A_140 : i32
    %dma_wait3A_142 = arith.constant 0 : i32
    %dma_wait3A_143 = arith.constant 0 : i32
    %dma_wait3A_144 = tpu.memref_slice %arg10[%dma_wait3A_142, %dma_wait3A_143] : memref<80x128xf32, #tpu.memory_space<vmem>> -> memref<64x128xf32, #tpu.memory_space<vmem>>
    %dma_wait3A_145 = arith.constant 0 : i32
    %dma_wait3A_146 = tpu.memref_slice %arg11[%add3A_141, %dma_wait3A_145] : memref<10000x128xf32, #tpu.memory_space<vmem_shared>> -> memref<64x128xf32, #tpu.memory_space<vmem_shared>>
    %dma_wait3A_147 = arith.constant 0 : i32
    %dma_wait3A_148 = tpu.memref_slice %arg11[%add3A_141, %dma_wait3A_147] : memref<10000x128xf32, #tpu.memory_space<vmem_shared>> -> memref<64x128xf32, #tpu.memory_space<vmem_shared>>
    %dma_wait3A_149 = arith.constant 0 : i32
    %dma_wait3A_150 = arith.constant 0 : i32
    %dma_wait3A_151 = tpu.memref_slice %arg10[%dma_wait3A_149, %dma_wait3A_150] : memref<80x128xf32, #tpu.memory_space<vmem>> -> memref<64x128xf32, #tpu.memory_space<vmem>>
    tpu.wait_dma2 semaphore(%arg12 : memref<!tpu.dma_semaphore, #tpu.memory_space<semaphore_mem>>) src(%dma_wait3A_151 : memref<64x128xf32, #tpu.memory_space<vmem>>) dst(%dma_wait3A_148 : memref<64x128xf32, #tpu.memory_space<vmem_shared>>)
    %eq3A_152 = arith.constant 0 : i32
    %eq3A_153 = arith.cmpi eq, %arg1, %eq3A_152 : i32
    %convert_element_type3A_154 = arith.extui %eq3A_153 : i1 to i32
    %cond3A_155 = arith.constant 0 : i32
    %cond3A_156 = arith.cmpi ne, %convert_element_type3A_154, %cond3A_155 : i32
    scf.if %cond3A_156 {
      %dma_wait3A_251 = arith.constant 0 : i32
      %dma_wait3A_252 = arith.constant 0 : i32
      %dma_wait3A_253 = tpu.memref_slice %arg10[%dma_wait3A_251, %dma_wait3A_252] : memref<80x128xf32, #tpu.memory_space<vmem>> -> memref<16x128xf32, #tpu.memory_space<vmem>>
      %dma_wait3A_254 = arith.constant 9984 : i32
      %dma_wait3A_255 = arith.constant 0 : i32
      %dma_wait3A_256 = tpu.memref_slice %arg11[%dma_wait3A_254, %dma_wait3A_255] : memref<10000x128xf32, #tpu.memory_space<vmem_shared>> -> memref<16x128xf32, #tpu.memory_space<vmem_shared>>
      %dma_wait3A_257 = arith.constant 9984 : i32
      %dma_wait3A_258 = arith.constant 0 : i32
      %dma_wait3A_259 = tpu.memref_slice %arg11[%dma_wait3A_257, %dma_wait3A_258] : memref<10000x128xf32, #tpu.memory_space<vmem_shared>> -> memref<16x128xf32, #tpu.memory_space<vmem_shared>>
      %dma_wait3A_260 = arith.constant 0 : i32
      %dma_wait3A_261 = arith.constant 0 : i32
      %dma_wait3A_262 = tpu.memref_slice %arg10[%dma_wait3A_260, %dma_wait3A_261] : memref<80x128xf32, #tpu.memory_space<vmem>> -> memref<16x128xf32, #tpu.memory_space<vmem>>
      tpu.wait_dma2 semaphore(%arg12 : memref<!tpu.dma_semaphore, #tpu.memory_space<semaphore_mem>>) src(%dma_wait3A_262 : memref<16x128xf32, #tpu.memory_space<vmem>>) dst(%dma_wait3A_259 : memref<16x128xf32, #tpu.memory_space<vmem_shared>>)
    } else {
    }
    %scan3A_157 = arith.constant 0 : i32
    %scan3A_158 = arith.constant 0 : i32
    %scan3A_159 = arith.constant 80 : i32
    %scan3A_160 = arith.addi %scan3A_158, %scan3A_159 : i32
    %scan3A_161 = arith.constant 1 : i32
    %scan3A_162 = scf.for %scan3A_251 = %scan3A_158 to %scan3A_160 step %scan3A_161 iter_args(%scan3A_252 = %scan3A_157) -> (i32)  : i32 {
      %swap3A = arith.index_cast %scan3A_251 : i32 to index
      %swap3A_253 = arith.constant 0 : index
      %swap3A_254 = tpu.vector_load %arg10[%swap3A, %swap3A_253] {strides = array<i32>} : memref<80x128xf32, #tpu.memory_space<vmem>>, vector<1x16xf32>,
      %swap3A_255 = vector.shape_cast %swap3A_254 : vector<1x16xf32> to vector<16xf32>
      %swap3A_256 = vector.shape_cast %broadcast_in_dim3A_5 : vector<16xf32> to vector<1x16xf32>
      tpu.vector_store %arg10[%swap3A, %swap3A_253], %swap3A_256 {strides = array<i32>} : memref<80x128xf32, #tpu.memory_space<vmem>>, vector<1x16xf32>,
      %swap3A_257 = arith.index_cast %scan3A_251 : i32 to index
      %swap3A_258 = arith.constant 16 : index
      %swap3A_259 = tpu.vector_load %arg10[%swap3A_257, %swap3A_258] {strides = array<i32>} : memref<80x128xf32, #tpu.memory_space<vmem>>, vector<1x16xf32>,
      %swap3A_260 = vector.shape_cast %swap3A_259 : vector<1x16xf32> to vector<16xf32>
      %swap3A_261 = vector.shape_cast %broadcast_in_dim3A_5 : vector<16xf32> to vector<1x16xf32>
      tpu.vector_store %arg10[%swap3A_257, %swap3A_258], %swap3A_261 {strides = array<i32>} : memref<80x128xf32, #tpu.memory_space<vmem>>, vector<1x16xf32>,
      %swap3A_262 = arith.index_cast %scan3A_251 : i32 to index
      %swap3A_263 = arith.constant 32 : index
      %swap3A_264 = tpu.vector_load %arg10[%swap3A_262, %swap3A_263] {strides = array<i32>} : memref<80x128xf32, #tpu.memory_space<vmem>>, vector<1x16xf32>,
      %swap3A_265 = vector.shape_cast %swap3A_264 : vector<1x16xf32> to vector<16xf32>
      %swap3A_266 = vector.shape_cast %broadcast_in_dim3A_5 : vector<16xf32> to vector<1x16xf32>
      tpu.vector_store %arg10[%swap3A_262, %swap3A_263], %swap3A_266 {strides = array<i32>} : memref<80x128xf32, #tpu.memory_space<vmem>>, vector<1x16xf32>,
      %swap3A_267 = arith.index_cast %scan3A_251 : i32 to index
      %swap3A_268 = arith.constant 48 : index
      %swap3A_269 = tpu.vector_load %arg10[%swap3A_267, %swap3A_268] {strides = array<i32>} : memref<80x128xf32, #tpu.memory_space<vmem>>, vector<1x16xf32>,
      %swap3A_270 = vector.shape_cast %swap3A_269 : vector<1x16xf32> to vector<16xf32>
      %swap3A_271 = vector.shape_cast %broadcast_in_dim3A_5 : vector<16xf32> to vector<1x16xf32>
      tpu.vector_store %arg10[%swap3A_267, %swap3A_268], %swap3A_271 {strides = array<i32>} : memref<80x128xf32, #tpu.memory_space<vmem>>, vector<1x16xf32>,
      %swap3A_272 = arith.index_cast %scan3A_251 : i32 to index
      %swap3A_273 = arith.constant 64 : index
      %swap3A_274 = tpu.vector_load %arg10[%swap3A_272, %swap3A_273] {strides = array<i32>} : memref<80x128xf32, #tpu.memory_space<vmem>>, vector<1x16xf32>,
      %swap3A_275 = vector.shape_cast %swap3A_274 : vector<1x16xf32> to vector<16xf32>
      %swap3A_276 = vector.shape_cast %broadcast_in_dim3A_5 : vector<16xf32> to vector<1x16xf32>
      tpu.vector_store %arg10[%swap3A_272, %swap3A_273], %swap3A_276 {strides = array<i32>} : memref<80x128xf32, #tpu.memory_space<vmem>>, vector<1x16xf32>,
      %swap3A_277 = arith.index_cast %scan3A_251 : i32 to index
      %swap3A_278 = arith.constant 80 : index
      %swap3A_279 = tpu.vector_load %arg10[%swap3A_277, %swap3A_278] {strides = array<i32>} : memref<80x128xf32, #tpu.memory_space<vmem>>, vector<1x16xf32>,
      %swap3A_280 = vector.shape_cast %swap3A_279 : vector<1x16xf32> to vector<16xf32>
      %swap3A_281 = vector.shape_cast %broadcast_in_dim3A_5 : vector<16xf32> to vector<1x16xf32>
      tpu.vector_store %arg10[%swap3A_277, %swap3A_278], %swap3A_281 {strides = array<i32>} : memref<80x128xf32, #tpu.memory_space<vmem>>, vector<1x16xf32>,
      %swap3A_282 = arith.index_cast %scan3A_251 : i32 to index
      %swap3A_283 = arith.constant 96 : index
      %swap3A_284 = tpu.vector_load %arg10[%swap3A_282, %swap3A_283] {strides = array<i32>} : memref<80x128xf32, #tpu.memory_space<vmem>>, vector<1x16xf32>,
      %swap3A_285 = vector.shape_cast %swap3A_284 : vector<1x16xf32> to vector<16xf32>
      %swap3A_286 = vector.shape_cast %broadcast_in_dim3A_5 : vector<16xf32> to vector<1x16xf32>
      tpu.vector_store %arg10[%swap3A_282, %swap3A_283], %swap3A_286 {strides = array<i32>} : memref<80x128xf32, #tpu.memory_space<vmem>>, vector<1x16xf32>,
      %swap3A_287 = arith.index_cast %scan3A_251 : i32 to index
      %swap3A_288 = arith.constant 112 : index
      %swap3A_289 = tpu.vector_load %arg10[%swap3A_287, %swap3A_288] {strides = array<i32>} : memref<80x128xf32, #tpu.memory_space<vmem>>, vector<1x16xf32>,
      %swap3A_290 = vector.shape_cast %swap3A_289 : vector<1x16xf32> to vector<16xf32>
      %swap3A_291 = vector.shape_cast %broadcast_in_dim3A_5 : vector<16xf32> to vector<1x16xf32>
      tpu.vector_store %arg10[%swap3A_287, %swap3A_288], %swap3A_291 {strides = array<i32>} : memref<80x128xf32, #tpu.memory_space<vmem>>, vector<1x16xf32>,
      %scan3A_292 = arith.constant 0 : i32
      scf.yield %scan3A_292 : i32
    }
    %scan3A_163 = arith.constant 80 : i32
    %barrier3A = arith.constant 0 : index
    tpu.barrier barrier_id(%barrier3A)
    %add3A_164 = arith.constant 0 : i32
    %add3A_165 = arith.addi %mul3A_2, %add3A_164 : i32
    %dma_start3A_166 = tpu.memref_slice %arg4[%add3A_165] : memref<320000xi32, #tpu.memory_space<hbm>> -> memref<80xi32, #tpu.memory_space<hbm>>
    %dma_start3A_167 = tpu.memref_slice %arg4[%add3A_165] : memref<320000xi32, #tpu.memory_space<hbm>> -> memref<80xi32, #tpu.memory_space<hbm>>
    tpu.enqueue_dma source(%dma_start3A_167 : memref<80xi32, #tpu.memory_space<hbm>>) target(%arg7 : memref<80xi32, #tpu.memory_space<vmem>>) target_semaphore(%arg12 : memref<!tpu.dma_semaphore, #tpu.memory_space<semaphore_mem>>)
    %add3A_168 = arith.constant 80 : i32
    %add3A_169 = arith.addi %mul3A_2, %add3A_168 : i32
    %dma_start3A_170 = tpu.memref_slice %arg4[%add3A_169] : memref<320000xi32, #tpu.memory_space<hbm>> -> memref<80xi32, #tpu.memory_space<hbm>>
    %dma_start3A_171 = tpu.memref_slice %arg4[%add3A_169] : memref<320000xi32, #tpu.memory_space<hbm>> -> memref<80xi32, #tpu.memory_space<hbm>>
    tpu.enqueue_dma source(%dma_start3A_171 : memref<80xi32, #tpu.memory_space<hbm>>) target(%arg8 : memref<80xi32, #tpu.memory_space<vmem>>) target_semaphore(%arg13 : memref<!tpu.dma_semaphore, #tpu.memory_space<semaphore_mem>>)
    %add3A_172 = arith.constant 0 : i32
    %add3A_173 = arith.addi %mul3A_2, %add3A_172 : i32
    %dma_wait3A_174 = tpu.memref_slice %arg4[%add3A_173] : memref<320000xi32, #tpu.memory_space<hbm>> -> memref<80xi32, #tpu.memory_space<hbm>>
    %dma_wait3A_175 = tpu.memref_slice %arg4[%add3A_173] : memref<320000xi32, #tpu.memory_space<hbm>> -> memref<80xi32, #tpu.memory_space<hbm>>
    tpu.wait_dma2 semaphore(%arg12 : memref<!tpu.dma_semaphore, #tpu.memory_space<semaphore_mem>>) src(%dma_wait3A_175 : memref<80xi32, #tpu.memory_space<hbm>>) dst(%arg7 : memref<80xi32, #tpu.memory_space<vmem>>)
    %add3A_176 = arith.constant 160 : i32
    %add3A_177 = arith.addi %mul3A_2, %add3A_176 : i32
    %dma_start3A_178 = tpu.memref_slice %arg4[%add3A_177] : memref<320000xi32, #tpu.memory_space<hbm>> -> memref<80xi32, #tpu.memory_space<hbm>>
    %dma_start3A_179 = tpu.memref_slice %arg4[%add3A_177] : memref<320000xi32, #tpu.memory_space<hbm>> -> memref<80xi32, #tpu.memory_space<hbm>>
    tpu.enqueue_dma source(%dma_start3A_179 : memref<80xi32, #tpu.memory_space<hbm>>) target(%arg9 : memref<80xi32, #tpu.memory_space<vmem>>) target_semaphore(%arg14 : memref<!tpu.dma_semaphore, #tpu.memory_space<semaphore_mem>>)
    %add3A_180 = arith.constant 80 : i32
    %add3A_181 = arith.addi %mul3A_2, %add3A_180 : i32
    %dma_wait3A_182 = tpu.memref_slice %arg4[%add3A_181] : memref<320000xi32, #tpu.memory_space<hbm>> -> memref<80xi32, #tpu.memory_space<hbm>>
    %dma_wait3A_183 = tpu.memref_slice %arg4[%add3A_181] : memref<320000xi32, #tpu.memory_space<hbm>> -> memref<80xi32, #tpu.memory_space<hbm>>
    tpu.wait_dma2 semaphore(%arg13 : memref<!tpu.dma_semaphore, #tpu.memory_space<semaphore_mem>>) src(%dma_wait3A_183 : memref<80xi32, #tpu.memory_space<hbm>>) dst(%arg8 : memref<80xi32, #tpu.memory_space<vmem>>)
    %dma_start3A_184 = arith.constant 0 : i32
    %dma_start3A_185 = arith.constant 0 : i32
    %dma_start3A_186 = tpu.memref_slice %arg11[%dma_start3A_184, %dma_start3A_185] : memref<10000x128xf32, #tpu.memory_space<vmem_shared>> -> memref<10000x128xf32, #tpu.memory_space<vmem_shared>>
    tpu.enqueue_indirect_dma source(%arg10 : memref<80x128xf32, #tpu.memory_space<vmem>>) target(%dma_start3A_186 : memref<10000x128xf32, #tpu.memory_space<vmem_shared>>) offsets(%arg7 : memref<80xi32, #tpu.memory_space<vmem>>) semaphore(%arg15 : memref<!tpu.dma_semaphore, #tpu.memory_space<semaphore_mem>>) {add = true}
    %scan3A_187 = arith.constant 0 : i32
    %scan3A_188 = arith.constant 0 : i32
    %scan3A_189 = arith.constant 20 : i32
    %scan3A_190 = arith.addi %scan3A_188, %scan3A_189 : i32
    %scan3A_191 = arith.constant 1 : i32
    %scan3A_192 = scf.for %scan3A_251 = %scan3A_188 to %scan3A_190 step %scan3A_191 iter_args(%scan3A_252 = %scan3A_187) -> (i32)  : i32 {
      %mul3A_253 = arith.constant 6 : i32
      %mul3A_254 = arith.muli %scan3A_251, %mul3A_253 : i32
      %add3A_255 = arith.constant 1 : i32
      %add3A_256 = arith.addi %add3A_255, %mul3A_254 : i32
      %add3A_257 = arith.constant 0 : i32
      %add3A_258 = arith.addi %add3A_256, %add3A_257 : i32
      %dma_wait3A_259 = arith.constant 0 : i32
      %dma_wait3A_260 = arith.constant 0 : i32
      %dma_wait3A_261 = tpu.memref_slice %arg11[%dma_wait3A_259, %dma_wait3A_260] : memref<10000x128xf32, #tpu.memory_space<vmem_shared>> -> memref<10000x128xf32, #tpu.memory_space<vmem_shared>>
      tpu.wait_indirect_dma semaphore(%arg15 : memref<!tpu.dma_semaphore, #tpu.memory_space<semaphore_mem>>) src(%arg10 : memref<80x128xf32, #tpu.memory_space<vmem>>) dst(%dma_wait3A_261 : memref<10000x128xf32, #tpu.memory_space<vmem_shared>>)
      %add3A_262 = arith.constant 2 : i32
      %add3A_263 = arith.addi %add3A_258, %add3A_262 : i32
      %mul3A_264 = arith.constant 80 : i32
      %mul3A_265 = arith.muli %add3A_263, %mul3A_264 : i32
      %add3A_266 = arith.addi %mul3A_2, %mul3A_265 : i32
      %dma_start3A_267 = tpu.memref_slice %arg4[%add3A_266] : memref<320000xi32, #tpu.memory_space<hbm>> -> memref<80xi32, #tpu.memory_space<hbm>>
      %dma_start3A_268 = tpu.memref_slice %arg4[%add3A_266] : memref<320000xi32, #tpu.memory_space<hbm>> -> memref<80xi32, #tpu.memory_space<hbm>>
      tpu.enqueue_dma source(%dma_start3A_268 : memref<80xi32, #tpu.memory_space<hbm>>) target(%arg7 : memref<80xi32, #tpu.memory_space<vmem>>) target_semaphore(%arg12 : memref<!tpu.dma_semaphore, #tpu.memory_space<semaphore_mem>>)
      %add3A_269 = arith.constant 1 : i32
      %add3A_270 = arith.addi %add3A_258, %add3A_269 : i32
      %mul3A_271 = arith.constant 80 : i32
      %mul3A_272 = arith.muli %add3A_270, %mul3A_271 : i32
      %add3A_273 = arith.addi %mul3A_2, %mul3A_272 : i32
      %dma_wait3A_274 = tpu.memref_slice %arg4[%add3A_273] : memref<320000xi32, #tpu.memory_space<hbm>> -> memref<80xi32, #tpu.memory_space<hbm>>
      %dma_wait3A_275 = tpu.memref_slice %arg4[%add3A_273] : memref<320000xi32, #tpu.memory_space<hbm>> -> memref<80xi32, #tpu.memory_space<hbm>>
      tpu.wait_dma2 semaphore(%arg14 : memref<!tpu.dma_semaphore, #tpu.memory_space<semaphore_mem>>) src(%dma_wait3A_275 : memref<80xi32, #tpu.memory_space<hbm>>) dst(%arg9 : memref<80xi32, #tpu.memory_space<vmem>>)
      %dma_start3A_276 = arith.constant 0 : i32
      %dma_start3A_277 = arith.constant 0 : i32
      %dma_start3A_278 = tpu.memref_slice %arg11[%dma_start3A_276, %dma_start3A_277] : memref<10000x128xf32, #tpu.memory_space<vmem_shared>> -> memref<10000x128xf32, #tpu.memory_space<vmem_shared>>
      tpu.enqueue_indirect_dma source(%arg10 : memref<80x128xf32, #tpu.memory_space<vmem>>) target(%dma_start3A_278 : memref<10000x128xf32, #tpu.memory_space<vmem_shared>>) offsets(%arg8 : memref<80xi32, #tpu.memory_space<vmem>>) semaphore(%arg16 : memref<!tpu.dma_semaphore, #tpu.memory_space<semaphore_mem>>) {add = true}
      %mul3A_279 = arith.constant 6 : i32
      %mul3A_280 = arith.muli %scan3A_251, %mul3A_279 : i32
      %add3A_281 = arith.constant 1 : i32
      %add3A_282 = arith.addi %add3A_281, %mul3A_280 : i32
      %add3A_283 = arith.constant 1 : i32
      %add3A_284 = arith.addi %add3A_282, %add3A_283 : i32
      %dma_wait3A_285 = arith.constant 0 : i32
      %dma_wait3A_286 = arith.constant 0 : i32
      %dma_wait3A_287 = tpu.memref_slice %arg11[%dma_wait3A_285, %dma_wait3A_286] : memref<10000x128xf32, #tpu.memory_space<vmem_shared>> -> memref<10000x128xf32, #tpu.memory_space<vmem_shared>>
      tpu.wait_indirect_dma semaphore(%arg16 : memref<!tpu.dma_semaphore, #tpu.memory_space<semaphore_mem>>) src(%arg10 : memref<80x128xf32, #tpu.memory_space<vmem>>) dst(%dma_wait3A_287 : memref<10000x128xf32, #tpu.memory_space<vmem_shared>>)
      %add3A_288 = arith.constant 2 : i32
      %add3A_289 = arith.addi %add3A_284, %add3A_288 : i32
      %mul3A_290 = arith.constant 80 : i32
      %mul3A_291 = arith.muli %add3A_289, %mul3A_290 : i32
      %add3A_292 = arith.addi %mul3A_2, %mul3A_291 : i32
      %dma_start3A_293 = tpu.memref_slice %arg4[%add3A_292] : memref<320000xi32, #tpu.memory_space<hbm>> -> memref<80xi32, #tpu.memory_space<hbm>>
      %dma_start3A_294 = tpu.memref_slice %arg4[%add3A_292] : memref<320000xi32, #tpu.memory_space<hbm>> -> memref<80xi32, #tpu.memory_space<hbm>>
      tpu.enqueue_dma source(%dma_start3A_294 : memref<80xi32, #tpu.memory_space<hbm>>) target(%arg8 : memref<80xi32, #tpu.memory_space<vmem>>) target_semaphore(%arg13 : memref<!tpu.dma_semaphore, #tpu.memory_space<semaphore_mem>>)
      %add3A_295 = arith.constant 1 : i32
      %add3A_296 = arith.addi %add3A_284, %add3A_295 : i32
      %mul3A_297 = arith.constant 80 : i32
      %mul3A_298 = arith.muli %add3A_296, %mul3A_297 : i32
      %add3A_299 = arith.addi %mul3A_2, %mul3A_298 : i32
      %dma_wait3A_300 = tpu.memref_slice %arg4[%add3A_299] : memref<320000xi32, #tpu.memory_space<hbm>> -> memref<80xi32, #tpu.memory_space<hbm>>
      %dma_wait3A_301 = tpu.memref_slice %arg4[%add3A_299] : memref<320000xi32, #tpu.memory_space<hbm>> -> memref<80xi32, #tpu.memory_space<hbm>>
      tpu.wait_dma2 semaphore(%arg12 : memref<!tpu.dma_semaphore, #tpu.memory_space<semaphore_mem>>) src(%dma_wait3A_301 : memref<80xi32, #tpu.memory_space<hbm>>) dst(%arg7 : memref<80xi32, #tpu.memory_space<vmem>>)
      %dma_start3A_302 = arith.constant 0 : i32
      %dma_start3A_303 = arith.constant 0 : i32
      %dma_start3A_304 = tpu.memref_slice %arg11[%dma_start3A_302, %dma_start3A_303] : memref<10000x128xf32, #tpu.memory_space<vmem_shared>> -> memref<10000x128xf32, #tpu.memory_space<vmem_shared>>
      tpu.enqueue_indirect_dma source(%arg10 : memref<80x128xf32, #tpu.memory_space<vmem>>) target(%dma_start3A_304 : memref<10000x128xf32, #tpu.memory_space<vmem_shared>>) offsets(%arg9 : memref<80xi32, #tpu.memory_space<vmem>>) semaphore(%arg15 : memref<!tpu.dma_semaphore, #tpu.memory_space<semaphore_mem>>) {add = true}
      %mul3A_305 = arith.constant 6 : i32
      %mul3A_306 = arith.muli %scan3A_251, %mul3A_305 : i32
      %add3A_307 = arith.constant 1 : i32
      %add3A_308 = arith.addi %add3A_307, %mul3A_306 : i32
      %add3A_309 = arith.constant 2 : i32
      %add3A_310 = arith.addi %add3A_308, %add3A_309 : i32
      %dma_wait3A_311 = arith.constant 0 : i32
      %dma_wait3A_312 = arith.constant 0 : i32
      %dma_wait3A_313 = tpu.memref_slice %arg11[%dma_wait3A_311, %dma_wait3A_312] : memref<10000x128xf32, #tpu.memory_space<vmem_shared>> -> memref<10000x128xf32, #tpu.memory_space<vmem_shared>>
      tpu.wait_indirect_dma semaphore(%arg15 : memref<!tpu.dma_semaphore, #tpu.memory_space<semaphore_mem>>) src(%arg10 : memref<80x128xf32, #tpu.memory_space<vmem>>) dst(%dma_wait3A_313 : memref<10000x128xf32, #tpu.memory_space<vmem_shared>>)
      %add3A_314 = arith.constant 2 : i32
      %add3A_315 = arith.addi %add3A_310, %add3A_314 : i32
      %mul3A_316 = arith.constant 80 : i32
      %mul3A_317 = arith.muli %add3A_315, %mul3A_316 : i32
      %add3A_318 = arith.addi %mul3A_2, %mul3A_317 : i32
      %dma_start3A_319 = tpu.memref_slice %arg4[%add3A_318] : memref<320000xi32, #tpu.memory_space<hbm>> -> memref<80xi32, #tpu.memory_space<hbm>>
      %dma_start3A_320 = tpu.memref_slice %arg4[%add3A_318] : memref<320000xi32, #tpu.memory_space<hbm>> -> memref<80xi32, #tpu.memory_space<hbm>>
      tpu.enqueue_dma source(%dma_start3A_320 : memref<80xi32, #tpu.memory_space<hbm>>) target(%arg9 : memref<80xi32, #tpu.memory_space<vmem>>) target_semaphore(%arg14 : memref<!tpu.dma_semaphore, #tpu.memory_space<semaphore_mem>>)
      %add3A_321 = arith.constant 1 : i32
      %add3A_322 = arith.addi %add3A_310, %add3A_321 : i32
      %mul3A_323 = arith.constant 80 : i32
      %mul3A_324 = arith.muli %add3A_322, %mul3A_323 : i32
      %add3A_325 = arith.addi %mul3A_2, %mul3A_324 : i32
      %dma_wait3A_326 = tpu.memref_slice %arg4[%add3A_325] : memref<320000xi32, #tpu.memory_space<hbm>> -> memref<80xi32, #tpu.memory_space<hbm>>
      %dma_wait3A_327 = tpu.memref_slice %arg4[%add3A_325] : memref<320000xi32, #tpu.memory_space<hbm>> -> memref<80xi32, #tpu.memory_space<hbm>>
      tpu.wait_dma2 semaphore(%arg13 : memref<!tpu.dma_semaphore, #tpu.memory_space<semaphore_mem>>) src(%dma_wait3A_327 : memref<80xi32, #tpu.memory_space<hbm>>) dst(%arg8 : memref<80xi32, #tpu.memory_space<vmem>>)
      %dma_start3A_328 = arith.constant 0 : i32
      %dma_start3A_329 = arith.constant 0 : i32
      %dma_start3A_330 = tpu.memref_slice %arg11[%dma_start3A_328, %dma_start3A_329] : memref<10000x128xf32, #tpu.memory_space<vmem_shared>> -> memref<10000x128xf32, #tpu.memory_space<vmem_shared>>
      tpu.enqueue_indirect_dma source(%arg10 : memref<80x128xf32, #tpu.memory_space<vmem>>) target(%dma_start3A_330 : memref<10000x128xf32, #tpu.memory_space<vmem_shared>>) offsets(%arg7 : memref<80xi32, #tpu.memory_space<vmem>>) semaphore(%arg16 : memref<!tpu.dma_semaphore, #tpu.memory_space<semaphore_mem>>) {add = true}
      %mul3A_331 = arith.constant 6 : i32
      %mul3A_332 = arith.muli %scan3A_251, %mul3A_331 : i32
      %add3A_333 = arith.constant 1 : i32
      %add3A_334 = arith.addi %add3A_333, %mul3A_332 : i32
      %add3A_335 = arith.constant 3 : i32
      %add3A_336 = arith.addi %add3A_334, %add3A_335 : i32
      %dma_wait3A_337 = arith.constant 0 : i32
      %dma_wait3A_338 = arith.constant 0 : i32
      %dma_wait3A_339 = tpu.memref_slice %arg11[%dma_wait3A_337, %dma_wait3A_338] : memref<10000x128xf32, #tpu.memory_space<vmem_shared>> -> memref<10000x128xf32, #tpu.memory_space<vmem_shared>>
      tpu.wait_indirect_dma semaphore(%arg16 : memref<!tpu.dma_semaphore, #tpu.memory_space<semaphore_mem>>) src(%arg10 : memref<80x128xf32, #tpu.memory_space<vmem>>) dst(%dma_wait3A_339 : memref<10000x128xf32, #tpu.memory_space<vmem_shared>>)
      %add3A_340 = arith.constant 2 : i32
      %add3A_341 = arith.addi %add3A_336, %add3A_340 : i32
      %mul3A_342 = arith.constant 80 : i32
      %mul3A_343 = arith.muli %add3A_341, %mul3A_342 : i32
      %add3A_344 = arith.addi %mul3A_2, %mul3A_343 : i32
      %dma_start3A_345 = tpu.memref_slice %arg4[%add3A_344] : memref<320000xi32, #tpu.memory_space<hbm>> -> memref<80xi32, #tpu.memory_space<hbm>>
      %dma_start3A_346 = tpu.memref_slice %arg4[%add3A_344] : memref<320000xi32, #tpu.memory_space<hbm>> -> memref<80xi32, #tpu.memory_space<hbm>>
      tpu.enqueue_dma source(%dma_start3A_346 : memref<80xi32, #tpu.memory_space<hbm>>) target(%arg7 : memref<80xi32, #tpu.memory_space<vmem>>) target_semaphore(%arg12 : memref<!tpu.dma_semaphore, #tpu.memory_space<semaphore_mem>>)
      %add3A_347 = arith.constant 1 : i32
      %add3A_348 = arith.addi %add3A_336, %add3A_347 : i32
      %mul3A_349 = arith.constant 80 : i32
      %mul3A_350 = arith.muli %add3A_348, %mul3A_349 : i32
      %add3A_351 = arith.addi %mul3A_2, %mul3A_350 : i32
      %dma_wait3A_352 = tpu.memref_slice %arg4[%add3A_351] : memref<320000xi32, #tpu.memory_space<hbm>> -> memref<80xi32, #tpu.memory_space<hbm>>
      %dma_wait3A_353 = tpu.memref_slice %arg4[%add3A_351] : memref<320000xi32, #tpu.memory_space<hbm>> -> memref<80xi32, #tpu.memory_space<hbm>>
      tpu.wait_dma2 semaphore(%arg14 : memref<!tpu.dma_semaphore, #tpu.memory_space<semaphore_mem>>) src(%dma_wait3A_353 : memref<80xi32, #tpu.memory_space<hbm>>) dst(%arg9 : memref<80xi32, #tpu.memory_space<vmem>>)
      %dma_start3A_354 = arith.constant 0 : i32
      %dma_start3A_355 = arith.constant 0 : i32
      %dma_start3A_356 = tpu.memref_slice %arg11[%dma_start3A_354, %dma_start3A_355] : memref<10000x128xf32, #tpu.memory_space<vmem_shared>> -> memref<10000x128xf32, #tpu.memory_space<vmem_shared>>
      tpu.enqueue_indirect_dma source(%arg10 : memref<80x128xf32, #tpu.memory_space<vmem>>) target(%dma_start3A_356 : memref<10000x128xf32, #tpu.memory_space<vmem_shared>>) offsets(%arg8 : memref<80xi32, #tpu.memory_space<vmem>>) semaphore(%arg15 : memref<!tpu.dma_semaphore, #tpu.memory_space<semaphore_mem>>) {add = true}
      %mul3A_357 = arith.constant 6 : i32
      %mul3A_358 = arith.muli %scan3A_251, %mul3A_357 : i32
      %add3A_359 = arith.constant 1 : i32
      %add3A_360 = arith.addi %add3A_359, %mul3A_358 : i32
      %add3A_361 = arith.constant 4 : i32
      %add3A_362 = arith.addi %add3A_360, %add3A_361 : i32
      %dma_wait3A_363 = arith.constant 0 : i32
      %dma_wait3A_364 = arith.constant 0 : i32
      %dma_wait3A_365 = tpu.memref_slice %arg11[%dma_wait3A_363, %dma_wait3A_364] : memref<10000x128xf32, #tpu.memory_space<vmem_shared>> -> memref<10000x128xf32, #tpu.memory_space<vmem_shared>>
      tpu.wait_indirect_dma semaphore(%arg15 : memref<!tpu.dma_semaphore, #tpu.memory_space<semaphore_mem>>) src(%arg10 : memref<80x128xf32, #tpu.memory_space<vmem>>) dst(%dma_wait3A_365 : memref<10000x128xf32, #tpu.memory_space<vmem_shared>>)
      %add3A_366 = arith.constant 2 : i32
      %add3A_367 = arith.addi %add3A_362, %add3A_366 : i32
      %mul3A_368 = arith.constant 80 : i32
      %mul3A_369 = arith.muli %add3A_367, %mul3A_368 : i32
      %add3A_370 = arith.addi %mul3A_2, %mul3A_369 : i32
      %dma_start3A_371 = tpu.memref_slice %arg4[%add3A_370] : memref<320000xi32, #tpu.memory_space<hbm>> -> memref<80xi32, #tpu.memory_space<hbm>>
      %dma_start3A_372 = tpu.memref_slice %arg4[%add3A_370] : memref<320000xi32, #tpu.memory_space<hbm>> -> memref<80xi32, #tpu.memory_space<hbm>>
      tpu.enqueue_dma source(%dma_start3A_372 : memref<80xi32, #tpu.memory_space<hbm>>) target(%arg8 : memref<80xi32, #tpu.memory_space<vmem>>) target_semaphore(%arg13 : memref<!tpu.dma_semaphore, #tpu.memory_space<semaphore_mem>>)
      %add3A_373 = arith.constant 1 : i32
      %add3A_374 = arith.addi %add3A_362, %add3A_373 : i32
      %mul3A_375 = arith.constant 80 : i32
      %mul3A_376 = arith.muli %add3A_374, %mul3A_375 : i32
      %add3A_377 = arith.addi %mul3A_2, %mul3A_376 : i32
      %dma_wait3A_378 = tpu.memref_slice %arg4[%add3A_377] : memref<320000xi32, #tpu.memory_space<hbm>> -> memref<80xi32, #tpu.memory_space<hbm>>
      %dma_wait3A_379 = tpu.memref_slice %arg4[%add3A_377] : memref<320000xi32, #tpu.memory_space<hbm>> -> memref<80xi32, #tpu.memory_space<hbm>>
      tpu.wait_dma2 semaphore(%arg12 : memref<!tpu.dma_semaphore, #tpu.memory_space<semaphore_mem>>) src(%dma_wait3A_379 : memref<80xi32, #tpu.memory_space<hbm>>) dst(%arg7 : memref<80xi32, #tpu.memory_space<vmem>>)
      %dma_start3A_380 = arith.constant 0 : i32
      %dma_start3A_381 = arith.constant 0 : i32
      %dma_start3A_382 = tpu.memref_slice %arg11[%dma_start3A_380, %dma_start3A_381] : memref<10000x128xf32, #tpu.memory_space<vmem_shared>> -> memref<10000x128xf32, #tpu.memory_space<vmem_shared>>
      tpu.enqueue_indirect_dma source(%arg10 : memref<80x128xf32, #tpu.memory_space<vmem>>) target(%dma_start3A_382 : memref<10000x128xf32, #tpu.memory_space<vmem_shared>>) offsets(%arg9 : memref<80xi32, #tpu.memory_space<vmem>>) semaphore(%arg16 : memref<!tpu.dma_semaphore, #tpu.memory_space<semaphore_mem>>) {add = true}
      %mul3A_383 = arith.constant 6 : i32
      %mul3A_384 = arith.muli %scan3A_251, %mul3A_383 : i32
      %add3A_385 = arith.constant 1 : i32
      %add3A_386 = arith.addi %add3A_385, %mul3A_384 : i32
      %add3A_387 = arith.constant 5 : i32
      %add3A_388 = arith.addi %add3A_386, %add3A_387 : i32
      %dma_wait3A_389 = arith.constant 0 : i32
      %dma_wait3A_390 = arith.constant 0 : i32
      %dma_wait3A_391 = tpu.memref_slice %arg11[%dma_wait3A_389, %dma_wait3A_390] : memref<10000x128xf32, #tpu.memory_space<vmem_shared>> -> memref<10000x128xf32, #tpu.memory_space<vmem_shared>>
      tpu.wait_indirect_dma semaphore(%arg16 : memref<!tpu.dma_semaphore, #tpu.memory_space<semaphore_mem>>) src(%arg10 : memref<80x128xf32, #tpu.memory_space<vmem>>) dst(%dma_wait3A_391 : memref<10000x128xf32, #tpu.memory_space<vmem_shared>>)
      %add3A_392 = arith.constant 2 : i32
      %add3A_393 = arith.addi %add3A_388, %add3A_392 : i32
      %mul3A_394 = arith.constant 80 : i32
      %mul3A_395 = arith.muli %add3A_393, %mul3A_394 : i32
      %add3A_396 = arith.addi %mul3A_2, %mul3A_395 : i32
      %dma_start3A_397 = tpu.memref_slice %arg4[%add3A_396] : memref<320000xi32, #tpu.memory_space<hbm>> -> memref<80xi32, #tpu.memory_space<hbm>>
      %dma_start3A_398 = tpu.memref_slice %arg4[%add3A_396] : memref<320000xi32, #tpu.memory_space<hbm>> -> memref<80xi32, #tpu.memory_space<hbm>>
      tpu.enqueue_dma source(%dma_start3A_398 : memref<80xi32, #tpu.memory_space<hbm>>) target(%arg9 : memref<80xi32, #tpu.memory_space<vmem>>) target_semaphore(%arg14 : memref<!tpu.dma_semaphore, #tpu.memory_space<semaphore_mem>>)
      %add3A_399 = arith.constant 1 : i32
      %add3A_400 = arith.addi %add3A_388, %add3A_399 : i32
      %mul3A_401 = arith.constant 80 : i32
      %mul3A_402 = arith.muli %add3A_400, %mul3A_401 : i32
      %add3A_403 = arith.addi %mul3A_2, %mul3A_402 : i32
      %dma_wait3A_404 = tpu.memref_slice %arg4[%add3A_403] : memref<320000xi32, #tpu.memory_space<hbm>> -> memref<80xi32, #tpu.memory_space<hbm>>
      %dma_wait3A_405 = tpu.memref_slice %arg4[%add3A_403] : memref<320000xi32, #tpu.memory_space<hbm>> -> memref<80xi32, #tpu.memory_space<hbm>>
      tpu.wait_dma2 semaphore(%arg13 : memref<!tpu.dma_semaphore, #tpu.memory_space<semaphore_mem>>) src(%dma_wait3A_405 : memref<80xi32, #tpu.memory_space<hbm>>) dst(%arg8 : memref<80xi32, #tpu.memory_space<vmem>>)
      %dma_start3A_406 = arith.constant 0 : i32
      %dma_start3A_407 = arith.constant 0 : i32
      %dma_start3A_408 = tpu.memref_slice %arg11[%dma_start3A_406, %dma_start3A_407] : memref<10000x128xf32, #tpu.memory_space<vmem_shared>> -> memref<10000x128xf32, #tpu.memory_space<vmem_shared>>
      tpu.enqueue_indirect_dma source(%arg10 : memref<80x128xf32, #tpu.memory_space<vmem>>) target(%dma_start3A_408 : memref<10000x128xf32, #tpu.memory_space<vmem_shared>>) offsets(%arg7 : memref<80xi32, #tpu.memory_space<vmem>>) semaphore(%arg15 : memref<!tpu.dma_semaphore, #tpu.memory_space<semaphore_mem>>) {add = true}
      %scan3A_409 = arith.constant 0 : i32
      scf.yield %scan3A_409 : i32
    }
    %scan3A_193 = arith.constant 20 : i32
    %dma_wait3A_194 = arith.constant 0 : i32
    %dma_wait3A_195 = arith.constant 0 : i32
    %dma_wait3A_196 = tpu.memref_slice %arg11[%dma_wait3A_194, %dma_wait3A_195] : memref<10000x128xf32, #tpu.memory_space<vmem_shared>> -> memref<10000x128xf32, #tpu.memory_space<vmem_shared>>
    tpu.wait_indirect_dma semaphore(%arg15 : memref<!tpu.dma_semaphore, #tpu.memory_space<semaphore_mem>>) src(%arg10 : memref<80x128xf32, #tpu.memory_space<vmem>>) dst(%dma_wait3A_196 : memref<10000x128xf32, #tpu.memory_space<vmem_shared>>)
    %add3A_197 = arith.constant 9840 : i32
    %add3A_198 = arith.addi %mul3A_2, %add3A_197 : i32
    %dma_start3A_199 = tpu.memref_slice %arg4[%add3A_198] : memref<320000xi32, #tpu.memory_space<hbm>> -> memref<80xi32, #tpu.memory_space<hbm>>
    %dma_start3A_200 = tpu.memref_slice %arg4[%add3A_198] : memref<320000xi32, #tpu.memory_space<hbm>> -> memref<80xi32, #tpu.memory_space<hbm>>
    tpu.enqueue_dma source(%dma_start3A_200 : memref<80xi32, #tpu.memory_space<hbm>>) target(%arg7 : memref<80xi32, #tpu.memory_space<vmem>>) target_semaphore(%arg12 : memref<!tpu.dma_semaphore, #tpu.memory_space<semaphore_mem>>)
    %add3A_201 = arith.constant 9760 : i32
    %add3A_202 = arith.addi %mul3A_2, %add3A_201 : i32
    %dma_wait3A_203 = tpu.memref_slice %arg4[%add3A_202] : memref<320000xi32, #tpu.memory_space<hbm>> -> memref<80xi32, #tpu.memory_space<hbm>>
    %dma_wait3A_204 = tpu.memref_slice %arg4[%add3A_202] : memref<320000xi32, #tpu.memory_space<hbm>> -> memref<80xi32, #tpu.memory_space<hbm>>
    tpu.wait_dma2 semaphore(%arg14 : memref<!tpu.dma_semaphore, #tpu.memory_space<semaphore_mem>>) src(%dma_wait3A_204 : memref<80xi32, #tpu.memory_space<hbm>>) dst(%arg9 : memref<80xi32, #tpu.memory_space<vmem>>)
    %dma_start3A_205 = arith.constant 0 : i32
    %dma_start3A_206 = arith.constant 0 : i32
    %dma_start3A_207 = tpu.memref_slice %arg11[%dma_start3A_205, %dma_start3A_206] : memref<10000x128xf32, #tpu.memory_space<vmem_shared>> -> memref<10000x128xf32, #tpu.memory_space<vmem_shared>>
    tpu.enqueue_indirect_dma source(%arg10 : memref<80x128xf32, #tpu.memory_space<vmem>>) target(%dma_start3A_207 : memref<10000x128xf32, #tpu.memory_space<vmem_shared>>) offsets(%arg8 : memref<80xi32, #tpu.memory_space<vmem>>) semaphore(%arg16 : memref<!tpu.dma_semaphore, #tpu.memory_space<semaphore_mem>>) {add = true}
    %dma_wait3A_208 = arith.constant 0 : i32
    %dma_wait3A_209 = arith.constant 0 : i32
    %dma_wait3A_210 = tpu.memref_slice %arg11[%dma_wait3A_208, %dma_wait3A_209] : memref<10000x128xf32, #tpu.memory_space<vmem_shared>> -> memref<10000x128xf32, #tpu.memory_space<vmem_shared>>
    tpu.wait_indirect_dma semaphore(%arg16 : memref<!tpu.dma_semaphore, #tpu.memory_space<semaphore_mem>>) src(%arg10 : memref<80x128xf32, #tpu.memory_space<vmem>>) dst(%dma_wait3A_210 : memref<10000x128xf32, #tpu.memory_space<vmem_shared>>)
    %add3A_211 = arith.constant 9920 : i32
    %add3A_212 = arith.addi %mul3A_2, %add3A_211 : i32
    %dma_start3A_213 = tpu.memref_slice %arg4[%add3A_212] : memref<320000xi32, #tpu.memory_space<hbm>> -> memref<80xi32, #tpu.memory_space<hbm>>
    %dma_start3A_214 = tpu.memref_slice %arg4[%add3A_212] : memref<320000xi32, #tpu.memory_space<hbm>> -> memref<80xi32, #tpu.memory_space<hbm>>
    tpu.enqueue_dma source(%dma_start3A_214 : memref<80xi32, #tpu.memory_space<hbm>>) target(%arg8 : memref<80xi32, #tpu.memory_space<vmem>>) target_semaphore(%arg13 : memref<!tpu.dma_semaphore, #tpu.memory_space<semaphore_mem>>)
    %add3A_215 = arith.constant 9840 : i32
    %add3A_216 = arith.addi %mul3A_2, %add3A_215 : i32
    %dma_wait3A_217 = tpu.memref_slice %arg4[%add3A_216] : memref<320000xi32, #tpu.memory_space<hbm>> -> memref<80xi32, #tpu.memory_space<hbm>>
    %dma_wait3A_218 = tpu.memref_slice %arg4[%add3A_216] : memref<320000xi32, #tpu.memory_space<hbm>> -> memref<80xi32, #tpu.memory_space<hbm>>
    tpu.wait_dma2 semaphore(%arg12 : memref<!tpu.dma_semaphore, #tpu.memory_space<semaphore_mem>>) src(%dma_wait3A_218 : memref<80xi32, #tpu.memory_space<hbm>>) dst(%arg7 : memref<80xi32, #tpu.memory_space<vmem>>)
    %dma_start3A_219 = arith.constant 0 : i32
    %dma_start3A_220 = arith.constant 0 : i32
    %dma_start3A_221 = tpu.memref_slice %arg11[%dma_start3A_219, %dma_start3A_220] : memref<10000x128xf32, #tpu.memory_space<vmem_shared>> -> memref<10000x128xf32, #tpu.memory_space<vmem_shared>>
    tpu.enqueue_indirect_dma source(%arg10 : memref<80x128xf32, #tpu.memory_space<vmem>>) target(%dma_start3A_221 : memref<10000x128xf32, #tpu.memory_space<vmem_shared>>) offsets(%arg9 : memref<80xi32, #tpu.memory_space<vmem>>) semaphore(%arg15 : memref<!tpu.dma_semaphore, #tpu.memory_space<semaphore_mem>>) {add = true}
    %dma_wait3A_222 = arith.constant 0 : i32
    %dma_wait3A_223 = arith.constant 0 : i32
    %dma_wait3A_224 = tpu.memref_slice %arg11[%dma_wait3A_222, %dma_wait3A_223] : memref<10000x128xf32, #tpu.memory_space<vmem_shared>> -> memref<10000x128xf32, #tpu.memory_space<vmem_shared>>
    tpu.wait_indirect_dma semaphore(%arg15 : memref<!tpu.dma_semaphore, #tpu.memory_space<semaphore_mem>>) src(%arg10 : memref<80x128xf32, #tpu.memory_space<vmem>>) dst(%dma_wait3A_224 : memref<10000x128xf32, #tpu.memory_space<vmem_shared>>)
    %add3A_225 = arith.constant 9920 : i32
    %add3A_226 = arith.addi %mul3A_2, %add3A_225 : i32
    %dma_wait3A_227 = tpu.memref_slice %arg4[%add3A_226] : memref<320000xi32, #tpu.memory_space<hbm>> -> memref<80xi32, #tpu.memory_space<hbm>>
    %dma_wait3A_228 = tpu.memref_slice %arg4[%add3A_226] : memref<320000xi32, #tpu.memory_space<hbm>> -> memref<80xi32, #tpu.memory_space<hbm>>
    tpu.wait_dma2 semaphore(%arg13 : memref<!tpu.dma_semaphore, #tpu.memory_space<semaphore_mem>>) src(%dma_wait3A_228 : memref<80xi32, #tpu.memory_space<hbm>>) dst(%arg8 : memref<80xi32, #tpu.memory_space<vmem>>)
    %dma_start3A_229 = arith.constant 0 : i32
    %dma_start3A_230 = arith.constant 0 : i32
    %dma_start3A_231 = tpu.memref_slice %arg11[%dma_start3A_229, %dma_start3A_230] : memref<10000x128xf32, #tpu.memory_space<vmem_shared>> -> memref<10000x128xf32, #tpu.memory_space<vmem_shared>>
    tpu.enqueue_indirect_dma source(%arg10 : memref<80x128xf32, #tpu.memory_space<vmem>>) target(%dma_start3A_231 : memref<10000x128xf32, #tpu.memory_space<vmem_shared>>) offsets(%arg7 : memref<80xi32, #tpu.memory_space<vmem>>) semaphore(%arg16 : memref<!tpu.dma_semaphore, #tpu.memory_space<semaphore_mem>>) {add = true}
    %dma_wait3A_232 = arith.constant 0 : i32
    %dma_wait3A_233 = arith.constant 0 : i32
    %dma_wait3A_234 = tpu.memref_slice %arg11[%dma_wait3A_232, %dma_wait3A_233] : memref<10000x128xf32, #tpu.memory_space<vmem_shared>> -> memref<10000x128xf32, #tpu.memory_space<vmem_shared>>
    tpu.wait_indirect_dma semaphore(%arg16 : memref<!tpu.dma_semaphore, #tpu.memory_space<semaphore_mem>>) src(%arg10 : memref<80x128xf32, #tpu.memory_space<vmem>>) dst(%dma_wait3A_234 : memref<10000x128xf32, #tpu.memory_space<vmem_shared>>)
    %dma_start3A_235 = arith.constant 0 : i32
    %dma_start3A_236 = arith.constant 0 : i32
    %dma_start3A_237 = tpu.memref_slice %arg11[%dma_start3A_235, %dma_start3A_236] : memref<10000x128xf32, #tpu.memory_space<vmem_shared>> -> memref<10000x128xf32, #tpu.memory_space<vmem_shared>>
    tpu.enqueue_indirect_dma source(%arg10 : memref<80x128xf32, #tpu.memory_space<vmem>>) target(%dma_start3A_237 : memref<10000x128xf32, #tpu.memory_space<vmem_shared>>) offsets(%arg8 : memref<80xi32, #tpu.memory_space<vmem>>) semaphore(%arg15 : memref<!tpu.dma_semaphore, #tpu.memory_space<semaphore_mem>>) {add = true}
    %dma_wait3A_238 = arith.constant 0 : i32
    %dma_wait3A_239 = arith.constant 0 : i32
    %dma_wait3A_240 = tpu.memref_slice %arg11[%dma_wait3A_238, %dma_wait3A_239] : memref<10000x128xf32, #tpu.memory_space<vmem_shared>> -> memref<10000x128xf32, #tpu.memory_space<vmem_shared>>
    tpu.wait_indirect_dma semaphore(%arg15 : memref<!tpu.dma_semaphore, #tpu.memory_space<semaphore_mem>>) src(%arg10 : memref<80x128xf32, #tpu.memory_space<vmem>>) dst(%dma_wait3A_240 : memref<10000x128xf32, #tpu.memory_space<vmem_shared>>)
    %barrier3A_241 = arith.constant 0 : index
    tpu.barrier barrier_id(%barrier3A_241)
    %mul3A_242 = arith.constant 624 : i32
    %mul3A_243 = arith.muli %arg1, %mul3A_242 : i32
    %mul3A_244 = arith.constant 624 : i32
    %mul3A_245 = arith.muli %arg1, %mul3A_244 : i32
    "tpu.region"() ({
      %run_scoped3A = tpu.sem_alloc : memref<!tpu.dma_semaphore, #tpu.memory_space<semaphore_mem>>
      %dma_start3A_251 = arith.constant 0 : i32
      %dma_start3A_252 = tpu.memref_slice %arg6[%arg0, %mul3A_245, %dma_start3A_251] : memref<2x10000x128xf32, #tpu.memory_space<hbm>> -> memref<1x624x128xf32, #tpu.memory_space<hbm>>
      %dma_start3A_253 = tpu.memref_squeeze %dma_start3A_252 : memref<1x624x128xf32, #tpu.memory_space<hbm>> -> memref<624x128xf32, #tpu.memory_space<hbm>>
      %dma_start3A_254 = arith.constant 0 : i32
      %dma_start3A_255 = tpu.memref_slice %arg11[%mul3A_243, %dma_start3A_254] : memref<10000x128xf32, #tpu.memory_space<vmem_shared>> -> memref<624x128xf32, #tpu.memory_space<vmem_shared>>
      tpu.enqueue_dma source(%dma_start3A_255 : memref<624x128xf32, #tpu.memory_space<vmem_shared>>) target(%dma_start3A_253 : memref<624x128xf32, #tpu.memory_space<hbm>>) target_semaphore(%run_scoped3A : memref<!tpu.dma_semaphore, #tpu.memory_space<semaphore_mem>>)
      %dma_wait3A_256 = arith.constant 0 : i32
      %dma_wait3A_257 = tpu.memref_slice %arg6[%arg0, %mul3A_245, %dma_wait3A_256] : memref<2x10000x128xf32, #tpu.memory_space<hbm>> -> memref<1x624x128xf32, #tpu.memory_space<hbm>>
      %dma_wait3A_258 = tpu.memref_squeeze %dma_wait3A_257 : memref<1x624x128xf32, #tpu.memory_space<hbm>> -> memref<624x128xf32, #tpu.memory_space<hbm>>
      %dma_wait3A_259 = arith.constant 0 : i32
      %dma_wait3A_260 = tpu.memref_slice %arg11[%mul3A_243, %dma_wait3A_259] : memref<10000x128xf32, #tpu.memory_space<vmem_shared>> -> memref<624x128xf32, #tpu.memory_space<vmem_shared>>
      tpu.wait_dma2 semaphore(%run_scoped3A : memref<!tpu.dma_semaphore, #tpu.memory_space<semaphore_mem>>) src(%dma_wait3A_260 : memref<624x128xf32, #tpu.memory_space<vmem_shared>>) dst(%dma_wait3A_258 : memref<624x128xf32, #tpu.memory_space<hbm>>)
      tpu.yield
    }) : () -> ()
    %eq3A_246 = arith.constant 0 : i32
    %eq3A_247 = arith.cmpi eq, %arg1, %eq3A_246 : i32
    %convert_element_type3A_248 = arith.extui %eq3A_247 : i1 to i32
    %cond3A_249 = arith.constant 0 : i32
    %cond3A_250 = arith.cmpi ne, %convert_element_type3A_248, %cond3A_249 : i32
    scf.if %cond3A_250 {
      "tpu.region"() ({
        %run_scoped3A = tpu.sem_alloc : memref<!tpu.dma_semaphore, #tpu.memory_space<semaphore_mem>>
        %dma_start3A_251 = arith.constant 9984 : i32
        %dma_start3A_252 = arith.constant 0 : i32
        %dma_start3A_253 = tpu.memref_slice %arg6[%arg0, %dma_start3A_251, %dma_start3A_252] : memref<2x10000x128xf32, #tpu.memory_space<hbm>> -> memref<1x16x128xf32, #tpu.memory_space<hbm>>
        %dma_start3A_254 = tpu.memref_squeeze %dma_start3A_253 : memref<1x16x128xf32, #tpu.memory_space<hbm>> -> memref<16x128xf32, #tpu.memory_space<hbm>>
        %dma_start3A_255 = arith.constant 9984 : i32
        %dma_start3A_256 = arith.constant 0 : i32
        %dma_start3A_257 = tpu.memref_slice %arg11[%dma_start3A_255, %dma_start3A_256] : memref<10000x128xf32, #tpu.memory_space<vmem_shared>> -> memref<16x128xf32, #tpu.memory_space<vmem_shared>>
        tpu.enqueue_dma source(%dma_start3A_257 : memref<16x128xf32, #tpu.memory_space<vmem_shared>>) target(%dma_start3A_254 : memref<16x128xf32, #tpu.memory_space<hbm>>) target_semaphore(%run_scoped3A : memref<!tpu.dma_semaphore, #tpu.memory_space<semaphore_mem>>)
        %dma_wait3A_258 = arith.constant 9984 : i32
        %dma_wait3A_259 = arith.constant 0 : i32
        %dma_wait3A_260 = tpu.memref_slice %arg6[%arg0, %dma_wait3A_258, %dma_wait3A_259] : memref<2x10000x128xf32, #tpu.memory_space<hbm>> -> memref<1x16x128xf32, #tpu.memory_space<hbm>>
        %dma_wait3A_261 = tpu.memref_squeeze %dma_wait3A_260 : memref<1x16x128xf32, #tpu.memory_space<hbm>> -> memref<16x128xf32, #tpu.memory_space<hbm>>
        %dma_wait3A_262 = arith.constant 9984 : i32
        %dma_wait3A_263 = arith.constant 0 : i32
        %dma_wait3A_264 = tpu.memref_slice %arg11[%dma_wait3A_262, %dma_wait3A_263] : memref<10000x128xf32, #tpu.memory_space<vmem_shared>> -> memref<16x128xf32, #tpu.memory_space<vmem_shared>>
        tpu.wait_dma2 semaphore(%run_scoped3A : memref<!tpu.dma_semaphore, #tpu.memory_space<semaphore_mem>>) src(%dma_wait3A_264 : memref<16x128xf32, #tpu.memory_space<vmem_shared>>) dst(%dma_wait3A_261 : memref<16x128xf32, #tpu.memory_space<hbm>>)
        tpu.yield
      }) : () -> ()
    } else {
    }
    return
  }
}

</mosaic_0001>

<sc_bundles>
// kernel: _sc_aggregate.3.cloned.1.call-start
scs
__scs_entry_jumppad:
0x0: {  	(pc) =	sbr.rel $0x88, $3  }
0x1: {  	(tag) =	ssettag $0x0;
	lr =	simm.s32 $0x1  }
0x2: {  	[smem:$0x3F9D] =	sst lr;
	_ =	strace $0xD0000000  }
0x3: {  	_ = 	snop  }
0x4: {  	_ = 	snop  }
0x5: {  	_ = 	snop  }
0x6: {  	_ = 	snop  }
0x7: {  	_ = 	snop  }
__scs_overlays_trampoline_lowered:
0x8: {  	[smem:$0x3FAC] =	sst s0  }
0x9: {  	[smem:$0x3FAD] =	sst s1  }
0xa: {  	[smem:$0x3FAE] =	sst s2  }
0xb: {  	[smem:$0x3FAF] =	sst s3  }
0xc: {  	[smem:$0x3FB0] =	sst s4  }
0xd: {  	[smem:$0x3FB1] =	sst s5  }
0xe: {  	[smem:$0x3FB2] =	sst s6  }
0xf: {  	[smem:$0x3FB3] =	sst s7  }
0x10: {  	[smem:$0x3FB4] =	sst s8  }
0x11: {  	[smem:$0x3FB5] =	sst s9;
	s0 =	simm.s32 @!p0 $0x0  }
0x12: {  	s1 =	sld [smem:$0x3F9B];
	s0 =	simm.s32 @p0 $0x1  }
0x13: {  	[smem:$0x3FB6] =	sst s0;
	s0 =	simm.s32 @!p1 $0x0  }
0x14: {  	s2 =	sld [smem:$0x3F9A];
	s0 =	simm.s32 @p1 $0x1  }
0x15: {  	[smem:$0x3FB7] =	sst s0;
	s0 =	simm.s32 @!p2 $0x0  }
0x16: {  	s3 =	sld [smem:$0x3FDB];
	s0 =	simm.s32 @p2 $0x1  }
0x17: {  	s4 =	simm.s32 $0x1BF5;
	[smem:$0x3FB9] =	sst s0  }
0x18: {  	s0 =	sld [smem:$0x3F9C];
	_ =	swait.ge [sflag:s4], $0x0  }
0x19: {  	s7 =	sld [smem:$0x3F9D]  }
0x1a: {  	s8 =	sadd.s32 $0xFFFFE003, lr  }
0x1b: {  	s9 =	sadd.s32 $0xFFFFFEF7, lr;
	s5 =	simm.s32 $0xFFFFFFFF;
	p2 =	slt.u32 s8, $0xFFFFF086  }
0x1c: {  	p1 =	slt.u32 s9, $0xF7A;
	s5 =	simm.s32 @!p2 $0x0  }
0x1d: {  	s5 =	simm.s32 @p1 $0x1;
	p0 =	seq.s32 s7, s2  }
0x1e: {  	s7 =	smul.u32 @!p0 $0xF7A, s2;
	p2 =	seq.s32 @!p0 s5, $0x0  }
0x1f: {  	s9 =	smul.u32 $0xF7A, s1;
	s8 =	simm.s32 @!p0 $0x1BF5;
	p2 =	por !p2, p0  }
0x20: {  	[sflag:s8] =	ssyncset.s32 @!p0 $0xFFFFF086;
	s6 =	sadd.s32 @!p0 s3, s7;
	s7 =	simm.s32 @!p0 $0x108  }
0x21: {  	s3 =	sadd.s32 s3, s9;
	s6 =	sadd.s32 @!p0 $0x88, s6;
	s7 =	simm.s32 @p2 $0x1082  }
0x22: {  	[simem:s7], [sflag:s8] =	dma.local @!p0 [hbm:s6], $0xF7A  }
0x23: {  	s9 =	sor.u32 $0xD0000000, s2;
	s6 =	simm.s32 $0x108;
	_ =	swait.ge @!p0 [sflag:s8], $0x0  }
0x24: {  	s3 =	sadd.s32 $0x88, s3;
	s6 =	simm.s32 @!p1 $0x1082;
	[sflag:s4] =	ssyncset.s32 $0xFFFFF086  }
0x25: {  	[simem:s6], [sflag:s4] =	dma.local [hbm:s3], $0xF7A  }
0x26: {  	[smem:$0x3F9D] =	sst s1;
	(tag) =	ssettag s2;
	_ =	strace s9  }
0x27: {  	s1 =	sld [smem:$0x3FAD]  }
0x28: {  	s2 =	sld [smem:$0x3FAE]  }
0x29: {  	s4 =	sld [smem:$0x3FB0]  }
0x2a: {  	p0 =	seq.s32 s5, $0x0;
	s5 =	sld [smem:$0x3FB1]  }
0x2b: {  	s6 =	sld [smem:$0x3FB2]  }
0x2c: {  	s7 =	sld [smem:$0x3FB3]  }
0x2d: {  	s3 =	simm.s32 $0x108;
	s8 =	sld [smem:$0x3FB4]  }
0x2e: {  	s3 =	simm.s32 @!p0 $0x1082;
	s9 =	sld [smem:$0x3FB5]  }
0x2f: {  	lr =	sadd.s32 s0, s3;
	s0 =	sld [smem:$0x3FAC]  }
0x30: {  	s3 =	sld [smem:$0x3FAF]  }
0x31: {  	[smem:$0x3FB8] =	sst s10  }
0x32: {  	s10 =	sld [smem:$0x3FB6];
	_ =	sdelay $0x3  }
0x33: {  	p0 =	seq.s32 s10, $0x1;
	s10 =	sld [smem:$0x3FB8];
	_ =	sdelay $0x3  }
0x34: {  	[smem:$0x3FB8] =	sst s10  }
0x35: {  	s10 =	sld [smem:$0x3FB7];
	_ =	sdelay $0x3  }
0x36: {  	p1 =	seq.s32 s10, $0x1;
	s10 =	sld [smem:$0x3FB8];
	_ =	sdelay $0x3  }
0x37: {  	[smem:$0x3FB8] =	sst s10  }
0x38: {  	s10 =	sld [smem:$0x3FB9]  }
0x39: {  	_ = 	snop;
	(pc) =	sbr.ind lr, $3  }
0x3a: {  	_ = 	snop  }
0x3b: {  	_ = 	snop  }
0x3c: {  	p2 =	seq.s32 s10, $0x1;
	s10 =	sld [smem:$0x3FB8]  }
0x3d: {  	_ =	shalt  }
0x3e: {  	_ =	shalt  }
0x3f: {  	_ =	shalt  }
0x40: {  	_ =	shalt  }
0x41: {  	_ =	shalt  }
0x42: {  	_ =	shalt  }
0x43: {  	_ =	shalt  }
0x44: {  	_ =	shalt  }
0x45: {  	_ =	shalt  }
0x46: {  	_ =	shalt  }
0x47: {  	_ =	shalt  }
0x48: {  	_ =	shalt  }
0x49: {  	_ =	shalt  }
0x4a: {  	_ =	shalt  }
0x4b: {  	_ =	shalt  }
0x4c: {  	_ =	shalt  }
0x4d: {  	_ =	shalt  }
0x4e: {  	_ =	shalt  }
0x4f: {  	_ =	shalt  }
0x50: {  	_ =	shalt  }
0x51: {  	_ =	shalt  }
0x52: {  	_ =	shalt  }
0x53: {  	_ =	shalt  }
0x54: {  	_ =	shalt  }
0x55: {  	_ =	shalt  }
0x56: {  	_ =	shalt  }
0x57: {  	_ =	shalt  }
0x58: {  	_ =	shalt  }
0x59: {  	_ =	shalt  }
0x5a: {  	_ =	shalt  }
0x5b: {  	_ =	shalt  }
0x5c: {  	_ =	shalt  }
0x5d: {  	_ =	shalt  }
0x5e: {  	_ =	shalt  }
0x5f: {  	_ =	shalt  }
0x60: {  	_ =	shalt  }
0x61: {  	_ =	shalt  }
0x62: {  	_ =	shalt  }
0x63: {  	_ =	shalt  }
0x64: {  	_ =	shalt  }
0x65: {  	_ =	shalt  }
0x66: {  	_ =	shalt  }
0x67: {  	_ =	shalt  }
0x68: {  	_ =	shalt  }
0x69: {  	_ =	shalt  }
0x6a: {  	_ =	shalt  }
0x6b: {  	_ =	shalt  }
0x6c: {  	_ =	shalt  }
0x6d: {  	_ =	shalt  }
0x6e: {  	_ =	shalt  }
0x6f: {  	_ =	shalt  }
0x70: {  	_ =	shalt  }
0x71: {  	_ =	shalt  }
0x72: {  	_ =	shalt  }
0x73: {  	_ =	shalt  }
0x74: {  	_ =	shalt  }
0x75: {  	_ =	shalt  }
0x76: {  	_ =	shalt  }
0x77: {  	_ =	shalt  }
0x78: {  	_ =	shalt  }
0x79: {  	_ =	shalt  }
0x7a: {  	_ =	shalt  }
0x7b: {  	_ =	shalt  }
0x7c: {  	_ =	shalt  }
0x7d: {  	_ =	shalt  }
0x7e: {  	_ =	shalt  }
0x7f: {  	_ =	shalt  }
0x80: {  	_ =	shalt  }
0x81: {  	_ =	shalt  }
0x82: {  	_ =	shalt  }
0x83: {  	_ =	shalt  }
0x84: {  	_ =	shalt  }
0x85: {  	_ =	shalt  }
0x86: {  	_ =	shalt  }
0x87: {  	_ =	shalt  }
.Lfunc_end0:
.L_simem_size_0:
called_computation_lowered:
.L_overlay_start_0:
0x88: {  	s2 =	sld [smem:$0x3FD9]  }
0x89: {  	s3 =	sld [smem:$0x3FFE];
	_ =	sdelay $0x1  }
0x8a: {  	s1 =	srdreg.scid  }
0x8b: {  	s0 =	sand.u32 $0x1, s1  }
0x8c: {  	s18 =	sshll.u32 s0, $0xA;
	s2 =	sadd.s32 s3, s2  }
0x8d: {  	s2 =	sadd.s32 s2, s18  }
0x8e: {  	[smem:$0x3FC4] =	sst s2  }
0x8f: {  	_ = 	snop  }
0x90: {  	s2 =	sld [smem:$0x3FC7]  }
0x91: {  	s19 =	sld [smem:$0x3FD0];
	(tm) =	ssettm $0x1  }
0x92: {  	s4 =	sld [smem:$0x3FFB];
	_ =	sdelay $0x3  }
0x93: {  	_ =	strace s4  }
0x94: {  	s4 =	sld [smem:$0x3FFC];
	_ =	sdelay $0x3  }
0x95: {  	_ =	strace s4  }
0x96: {  	s4 =	sld [smem:$0x3FFD];
	_ =	sdelay $0x3  }
0x97: {  	_ =	strace s4  }
0x98: {  	_ =	strace $0x8FFFFFFF  }
0x99: {  	s20 =	sld [smem:$0x3FDB];
	_ =	sdelay $0x1  }
0x9a: {  	s5 =	simm.s32 $_scs_section_size  }
0x9b: {  	s6 =	simm.s32 $_size__tile_overlayer_lowered;
	s7 =	simm.s32 $_tile_overlayer_lowered  }
0x9c: {  	s23 =	simm.s32 $0x1BFF;
	s22 =	sshll.u32 s7, $0x1;
	s4 =	sadd.s32 s5, s20  }
0x9d: {  	s8 =	simm.s32 $0x0;
	s21 =	sshll.u32 s6, $0x1;
	s6 =	sadd.s32 s22, s4  }
0x9e: {  	[timem:s8], [sflag:s23] =	dma.local [hbm:s6], s21  }
0x9f: {  	_ =	swait.ge [sflag:s23], s21  }
0xa0: {  	s5 =	ssub.s32 $0x0, s21;
	[sflag:s23] =	ssyncset.done $0x0  }
0xa1: {  	[sflag:s23] =	ssyncadd.s32 s5;
	_ =	sdelay $0x1  }
0xa2: {  	s24 =	simm.s32 $0x1B8B  }
0xa3: {  	_ =	swait.ge [sflag:s24], $0x1  }
0xa4: {  	[sflag:s24] =	ssyncset.done $0x0  }
0xa5: {  	s25 =	simm.s32 $0x1B8E;
	[sflag:s24] =	ssyncadd.s32 $0xFFFFFFFF  }
0xa6: {  	s26 =	simm.s32 $execute0_lowered;
	[smem:$0x3FD2] =	sst s25  }
0xa7: {  	s5 =	sshll.u32 s26, $0x1;
	_ =	strace $0x80000046;
	[dreg:$0x1] =	wrdreg $0xFFFFFFFF  }
0xa8: {  	s28 =	simm.s32 $_size_execute0_lowered;
	s4 =	sadd.s32 s4, s5;
	[dreg:$0x0] =	wrdreg $0x0  }
0xa9: {  	s5 =	sshll.u32 s28, $0x1;
	[dreg:$0x2] =	wrdreg s4  }
0xaa: {  	[dreg:$0x3] =	wrdreg s5  }
0xab: {  	[dreg:$0x4] =	wrdreg $0xC0  }
0xac: {  	_ =	task [dreg:s8], $0x5FFFF  }
0xad: {  	[dreg:$0x1] =	wrdreg $0xFFFFFFFF  }
0xae: {  	[dreg:$0x0] =	wrdreg $0x60  }
0xaf: {  	[dreg:$0x2] =	wrdreg s2  }
0xb0: {  	[dreg:$0x3] =	wrdreg s19  }
0xb1: {  	[dreg:$0x4] =	wrdreg $0x29800  }
0xb2: {  	[dreg:$0x5] =	wrdreg $0x9  }
0xb3: {  	_ =	task.clear_ibuf [dreg:s8], $0x6FFFF;
	_ =	strace $0x90000046  }
0xb4: {  	s29 =	simm.s32 $0x9;
	_ =	strace $0x80000048  }
0xb5: {  	_ =	swait.ge [sflag:s29], $0x1  }
0xb6: {  	[sflag:s29] =	ssyncadd.s32 $0xFFFFFFFF  }
0xb7: {  	_ =	strace $0x90000048  }
0xb8: {  	_ =	sfence  }
0xb9: {  	s30 =	sld [smem:$0x0];
	_ =	sdelay $0x2  }
0xba: {  	s31 =	sshll.u32 s1, $0xD;
	s1 =	sshrl.u32 s1, $0x2  }
0xbb: {  	s3 =	sand.u32 $0x4000, s31;
	s1 =	sadd.s32 s1, s30  }
0xbc: {  	s0 =	sor.u32 s3, s0;
	s1 =	sshll.u32 s1, $0x11  }
0xbd: {  	s0 =	sor.u32 s1, s0  }
0xbe: {  	s0 =	sadd.s32 $0x8F2B, s0  }
0xbf: {  	[sflag:s0] =	ssyncadd.remote.s32 $0x1  }
0xc0: {  	_ =	sfence.sel $0xFFFF  }
0xc1: {  	[dreg:$0x0] =	wrdreg $0xFFFFFFFF;
	(pc) =	sbr.abs _section_cstart, $3  }
0xc2: {  	[dreg:$0x1] =	wrdreg $0xFFFFFFFF  }
0xc3: {  	_ =	task.clear_ibuf [dreg:s8], $0x2FFFF;
	_ =	strace $0x9FFFFFFF  }
0xc4: {  	(tm) =	ssettm $0x7FFFFFFF  }
0xc5: {  	_ =	shalt  }
tec
execute0_lowered:
.L_overlay_start_1:
0x0: {  	(tag) =	ssettag $0x1  }
0x1: {  	s1 =	rddreg [dreg:$0x0]  }
0x2: {  	s0 =	rddreg [dreg:$0x1]  }
0x3: {  	s2 =	rddreg [dreg:$0x2];
	s3 =	simm.s32 $0x0  }
0x4: {  	s4 =	srdreg.scid;
	s10 =	stileid.u32;
	s29 =	simm.s32 $0x180  }
0x5: {  	s30 =	simm.s32 $0x1;
	s31 =	simm.s32 $0x80;
	s5 =	smul.u32 $0x4E000, s10  }
0x6: {  	[smem:$0x7FF] =	sst s3;
	s4 =	sand.u32 $0x1, s4;
	s15 =	smul.u32 $0x13800, s10  }
0x7: {  	s13 =	sadd.s32 $0x138000, s2;
	s17 =	smul.u32 $0x2710, s10;
	p0 =	sne.s32 s10, $0x0  }
0x8: {  	_ =	strace $0x80000047;
	s6 =	ssub.s32 $0x2, s4;
	s12 =	smul.u32 $0x138800, s4  }
0x9: {  	s7 =	sshll.u32 s4, $0x4;
	s4 =	smul.u32 $0x27100, s4;
	s8 =	sshrl.u32 s6, $0x1  }
0xa: {  	s7 =	sor.u32 s10, s7;
	s5 =	sshrl.u32 s5, $0x2;
	s10 =	simm.s32 $0x6  }
0xb: {  	s6 =	ssub.s32 s6, s8;
	s7 =	smul.u32 $0x2710, s7;
	s5 =	sadd.s32 s5, s2  }
0xc: {  	s16 =	sadd.s32 s15, s12;
	s19 =	sshrl.u32 s12, $0x3;
	s24 =	sadd.s32 $0x2800, s5  }
0xd: {  	s4 =	sadd.s32 s17, s4;
	s25 =	sadd.s32 $0x5000, s5;
	[dreg:$0x4] =	wrdreg s24  }
0xe: {  	s8 =	simm.s32 $0x3;
	s26 =	sadd.s32 $0x7800, s5;
	[dreg:$0x5] =	wrdreg s25  }
0xf: {  	s9 =	sadd.s32 $0xA000, s5;
	s11 =	sadd.s32 $0xC800, s5;
	[dreg:$0x6] =	wrdreg s26  }
0x10: {  	s14 =	sadd.s32 $0x11800, s5;
	s20 =	sadd.s32 $0x280, s4;
	[dreg:$0x7] =	wrdreg s9  }
0x11: {  	s21 =	sadd.s32 $0x230, s4;
	[dreg:$0x8] =	wrdreg s11;
	s9 =	sadd.s32 $0xF000, s5  }
0x12: {  	[dreg:$0xa] =	wrdreg s14;
	s7 =	sshrl.u32 s7, $0x3;
	s22 =	sshrl.u32 s20, $0x3  }
0x13: {  	s23 =	sshrl.u32 s21, $0x3;
	s24 =	sadd.s32 $0x190, s4;
	s25 =	sadd.s32 $0x140, s4  }
0x14: {  	[dreg:$0x9] =	wrdreg s9;
	s14 =	sadd.s32 s1, s7;
	s7 =	sshrl.u32 s16, $0x3  }
0x15: {  	s20 =	sadd.s32 s22, s1;
	s21 =	sadd.s32 s23, s1;
	s22 =	sadd.s32 $0x1E0, s4  }
0x16: {  	s4 =	sadd.s32 $0xF0, s4;
	s9 =	simm.s32 $0x5;
	s11 =	sadd.s32 $0xA, s14  }
0x17: {  	s18 =	sadd.s32 $0x14, s14;
	s7 =	sadd.s32 s0, s7;
	s0 =	sadd.s32 s0, s19  }
0x18: {  	s19 =	smax.u32 s6, $0x1;
	s6 =	sshrl.u32 s25, $0x3;
	[dreg:$0xb] =	wrdreg s11  }
0x19: {  	s26 =	sshrl.u32 s4, $0x3;
	s28 =	sadd.s32 $0x4D8, s14;
	[dreg:$0xc] =	wrdreg s18  }
0x1a: {  	s4 =	simm.s32 $0x2;
	[dreg:$0xd] =	wrdreg s7;
	s18 =	sadd.s32 $0x27000, s0  }
0x1b: {  	s0 =	sshrl.u32 s24, $0x3;
	s24 =	sadd.s32 s6, s1;
	s25 =	sadd.s32 s26, s1  }
0x1c: {  	s26 =	sadd.s32 $0x4CE, s14;
	s6 =	simm.s32 $0x50;
	s7 =	simm.s32 $0x4  }
0x1d: {  	v0 =	vimm.f32 $0.0e+00;
	v1 =	vimm.f32 $1.000000000e+00;
	s11 =	simm.s32 $0x0;
	s23 =	sadd.s32 s0, s1;
	s0 =	simm.s32 $0x100  }
.LBB2_1:
0x1e: {  	s12 =	simm.s32 $0x0;
	s15 =	simm.s32 $0x200  }
.LBB2_2:
0x1f: {  	p1 =	sne.s32 s15, $0x9E00;
	[tilespmem:s12+$0x1F0] =	vst v0  }
0x20: {  	[tilespmem:s12+$0x180] =	vst v0  }
0x21: {  	[tilespmem:s12+$0x190] =	vst v0  }
.Ltmp0:
0x22: {  	[tilespmem:s12+$0x1A0] =	vst v0;
	(pc) =	sbr.rel @p1 .LBB2_2-.Ltmp0, $4  }
0x23: {  	[tilespmem:s12+$0x1B0] =	vst v0  }
0x24: {  	[tilespmem:s12+$0x1C0] =	vst v0  }
0x25: {  	[tilespmem:s12+$0x1D0] =	vst v0  }
0x26: {  	[tilespmem:s12+$0x1E0] =	vst v0;
	s12 =	sshra.s32 s15, $0x2;
	s15 =	sadd.s32 $0x200, s15  }
0x27: {  	[tilespmem:s12+$0x1F0] =	vst v0  }
0x28: {  	[tilespmem:s12+$0x180] =	vst v0  }
0x29: {  	[tilespmem:s12+$0x190] =	vst v0  }
0x2a: {  	[tilespmem:s12+$0x1A0] =	vst v0  }
0x2b: {  	[tilespmem:s12+$0x1B0] =	vst v0  }
0x2c: {  	[tilespmem:s12+$0x1C0] =	vst v0  }
0x2d: {  	[tilespmem:s12+$0x1D0] =	vst v0  }
0x2e: {  	[tilespmem:s12+$0x1E0] =	vst v0  }
0x2f: {  	[spmem:s5] =	stream.linear.scatter [tilespmem:s29], [sflag:$0x1], $0x2800, $0x38;
	[tilespmem:$0x16200] =	vst v63  }
0x30: {  	s17 =	rddreg [dreg:$0x4]  }
0x31: {  	[spmem:s17] =	stream.linear.scatter [tilespmem:s29], [sflag:$0x1], $0x2800, $0x38;
	[tilespmem:$0x16200] =	vst v63  }
0x32: {  	s15 =	rddreg [dreg:$0x5]  }
0x33: {  	[spmem:s15] =	stream.linear.scatter [tilespmem:s29], [sflag:$0x1], $0x2800, $0x38;
	[tilespmem:$0x16200] =	vst v63  }
0x34: {  	s16 =	rddreg [dreg:$0x6]  }
0x35: {  	[spmem:s16] =	stream.linear.scatter [tilespmem:s29], [sflag:$0x1], $0x2800, $0x38;
	[tilespmem:$0x16200] =	vst v63  }
0x36: {  	s17 =	rddreg [dreg:$0x7]  }
0x37: {  	[spmem:s17] =	stream.linear.scatter [tilespmem:s29], [sflag:$0x1], $0x2800, $0x38;
	[tilespmem:$0x16200] =	vst v63  }
0x38: {  	s15 =	rddreg [dreg:$0x8]  }
0x39: {  	[spmem:s15] =	stream.linear.scatter [tilespmem:s29], [sflag:$0x1], $0x2800, $0x38;
	[tilespmem:$0x16200] =	vst v63  }
0x3a: {  	s16 =	rddreg [dreg:$0x9]  }
0x3b: {  	[spmem:s16] =	stream.linear.scatter [tilespmem:s29], [sflag:$0x1], $0x2800, $0x38;
	[tilespmem:$0x16200] =	vst v63  }
0x3c: {  	s17 =	rddreg [dreg:$0xa]  }
0x3d: {  	[spmem:s17] =	stream.linear.scatter [tilespmem:s29], [sflag:$0x1], $0x2000, $0x38;
	[tilespmem:$0x16200] =	vst v63  }
0x3e: {  	s12 =	simm.s32 @!p0 $0x180  }
0x3f: {  	[spmem:s13] =	stream.linear.scatter @!p0 [tilespmem:s12], [sflag:$0x1], $0x800, $0x38;
	[tilespmem:$0x16200] =	vst v63  }
0x40: {  	_ =	swait.ge [sflag:s30], $0x2800  }
0x41: {  	[sflag:s30] =	ssyncset.done $0x0  }
0x42: {  	[sflag:s30] =	ssyncadd.s32 $0xFFFFD800  }
0x43: {  	_ =	swait.ge [sflag:s30], $0x2800  }
0x44: {  	[sflag:s30] =	ssyncset.done $0x0  }
0x45: {  	[sflag:s30] =	ssyncadd.s32 $0xFFFFD800  }
0x46: {  	_ =	swait.ge [sflag:s30], $0x2800  }
0x47: {  	[sflag:s30] =	ssyncset.done $0x0  }
0x48: {  	[sflag:s30] =	ssyncadd.s32 $0xFFFFD800  }
0x49: {  	_ =	swait.ge [sflag:s30], $0x2800  }
0x4a: {  	[sflag:s30] =	ssyncset.done $0x0  }
0x4b: {  	[sflag:s30] =	ssyncadd.s32 $0xFFFFD800  }
0x4c: {  	_ =	swait.ge [sflag:s30], $0x2800  }
0x4d: {  	[sflag:s30] =	ssyncset.done $0x0  }
0x4e: {  	[sflag:s30] =	ssyncadd.s32 $0xFFFFD800  }
0x4f: {  	_ =	swait.ge [sflag:s30], $0x2800  }
0x50: {  	[sflag:s30] =	ssyncset.done $0x0  }
0x51: {  	[sflag:s30] =	ssyncadd.s32 $0xFFFFD800  }
0x52: {  	_ =	swait.ge [sflag:s30], $0x2800  }
0x53: {  	[sflag:s30] =	ssyncset.done $0x0  }
0x54: {  	[sflag:s30] =	ssyncadd.s32 $0xFFFFD800  }
0x55: {  	_ =	swait.ge [sflag:s30], $0x2000  }
0x56: {  	[sflag:s30] =	ssyncset.done $0x0  }
0x57: {  	s12 =	simm.s32 @!p0 $0x1;
	[sflag:s30] =	ssyncadd.s32 $0xFFFFE000  }
0x58: {  	_ =	swait.ge @!p0 [sflag:s12], $0x800  }
0x59: {  	[sflag:s12] =	ssyncset.done @!p0 $0x0  }
0x5a: {  	s15 =	simm.s32 $0x200;
	[sflag:s12] =	ssyncadd.s32 @!p0 $0xFFFFF800;
	s12 =	simm.s32 $0x0  }
.LBB2_4:
0x5b: {  	p1 =	sne.s32 s15, $0x9E00;
	[tilespmem:s12+$0x1F0] =	vst v1  }
0x5c: {  	[tilespmem:s12+$0x180] =	vst v1  }
0x5d: {  	[tilespmem:s12+$0x190] =	vst v1  }
.Ltmp1:
0x5e: {  	[tilespmem:s12+$0x1A0] =	vst v1;
	(pc) =	sbr.rel @p1 .LBB2_4-.Ltmp1, $4  }
0x5f: {  	[tilespmem:s12+$0x1B0] =	vst v1  }
0x60: {  	[tilespmem:s12+$0x1C0] =	vst v1  }
0x61: {  	[tilespmem:s12+$0x1D0] =	vst v1  }
0x62: {  	[tilespmem:s12+$0x1E0] =	vst v1;
	s12 =	sshra.s32 s15, $0x2;
	s15 =	sadd.s32 $0x200, s15  }
0x63: {  	[tilespmem:s12+$0x1F0] =	vst v1  }
0x64: {  	[tilespmem:s12+$0x180] =	vst v1  }
0x65: {  	[tilespmem:s12+$0x190] =	vst v1  }
0x66: {  	[tilespmem:s12+$0x1A0] =	vst v1  }
0x67: {  	[tilespmem:s12+$0x1B0] =	vst v1  }
0x68: {  	[tilespmem:s12+$0x1C0] =	vst v1  }
0x69: {  	[tilespmem:s12+$0x1D0] =	vst v1  }
0x6a: {  	[tilespmem:s12+$0x1E0] =	vst v1  }
0x6b: {  	s16 =	simm.s32 $0x0;
	[bflag:$0x0] =	sbarrier.arrive $0xFFFF  }
0x6c: {  	[tilespmem:s16], [sflag:$0x1] =	stream.linear.gather [hbm4b:s14+s16], $0x50, $0x38;
	[tilespmem:$0x16200] =	vst v63  }
0x6d: {  	s15 =	rddreg [dreg:$0xb]  }
0x6e: {  	[tilespmem:s31], [sflag:$0x2] =	stream.linear.gather [hbm4b:s15+s16], $0x50, $0x38;
	[tilespmem:$0x16200] =	vst v63  }
0x6f: {  	_ =	swait.ge [sflag:s30], $0x50  }
0x70: {  	[sflag:s30] =	ssyncset.done $0x0  }
0x71: {  	s17 =	rddreg [dreg:$0xc];
	[sflag:s30] =	ssyncadd.s32 $0xFFFFFFB0  }
0x72: {  	[tilespmem:s0], [sflag:$0x3] =	stream.linear.gather [hbm4b:s17+s16], $0x50, $0x38;
	[tilespmem:$0x16200] =	vst v63  }
0x73: {  	_ =	swait.ge [sflag:s4], $0x50  }
0x74: {  	[sflag:s4] =	ssyncset.done $0x0  }
0x75: {  	[sflag:s4] =	ssyncadd.s32 $0xFFFFFFB0  }
0x76: {  	[spmem:s2] =	stream.indirect.scatter.add.f32 [tilespmem:s29], [sflag:$0x4], $0x80, s16, s6, $0xb8;
	[tilespmem:$0x16200] =	vst v63  }
0x77: {  	_ =	swait.ge [sflag:s7], $0x2800  }
0x78: {  	[sflag:s7] =	ssyncset.done $0x0  }
0x79: {  	s15 =	sadd.s32 $0x0, s25;
	[sflag:s7] =	ssyncadd.s32 $0xFFFFD800  }
0x7a: {  	[tilespmem:s3], [sflag:$0x1] =	stream.linear.gather [hbm4b:s15+s3], $0x50, $0x38;
	[tilespmem:$0x16200] =	vst v63  }
0x7b: {  	_ =	swait.ge [sflag:s8], $0x50  }
0x7c: {  	[sflag:s8] =	ssyncset.done $0x0  }
0x7d: {  	[sflag:s8] =	ssyncadd.s32 $0xFFFFFFB0  }
0x7e: {  	[spmem:s2] =	stream.indirect.scatter.add.f32 [tilespmem:s29], [sflag:$0x5], $0x80, s31, s6, $0xb8;
	[tilespmem:$0x16200] =	vst v63  }
0x7f: {  	_ =	swait.ge [sflag:s9], $0x2800  }
0x80: {  	[sflag:s9] =	ssyncset.done $0x0  }
0x81: {  	s16 =	sadd.s32 $0x0, s24;
	[sflag:s9] =	ssyncadd.s32 $0xFFFFD800  }
0x82: {  	[tilespmem:s31], [sflag:$0x2] =	stream.linear.gather [hbm4b:s16+s3], $0x50, $0x38;
	[tilespmem:$0x16200] =	vst v63  }
0x83: {  	_ =	swait.ge [sflag:s30], $0x50  }
0x84: {  	[sflag:s30] =	ssyncset.done $0x0  }
0x85: {  	[sflag:s30] =	ssyncadd.s32 $0xFFFFFFB0  }
0x86: {  	[spmem:s2] =	stream.indirect.scatter.add.f32 [tilespmem:s29], [sflag:$0x4], $0x80, s0, s6, $0xb8;
	[tilespmem:$0x16200] =	vst v63  }
0x87: {  	_ =	swait.ge [sflag:s7], $0x2800  }
0x88: {  	[sflag:s7] =	ssyncset.done $0x0  }
0x89: {  	s17 =	sadd.s32 $0x0, s23;
	[sflag:s7] =	ssyncadd.s32 $0xFFFFD800  }
0x8a: {  	[tilespmem:s0], [sflag:$0x3] =	stream.linear.gather [hbm4b:s17+s3], $0x50, $0x38;
	[tilespmem:$0x16200] =	vst v63  }
0x8b: {  	_ =	swait.ge [sflag:s4], $0x50  }
0x8c: {  	[sflag:s4] =	ssyncset.done $0x0  }
0x8d: {  	[sflag:s4] =	ssyncadd.s32 $0xFFFFFFB0  }
0x8e: {  	[spmem:s2] =	stream.indirect.scatter.add.f32 [tilespmem:s29], [sflag:$0x5], $0x80, s3, s6, $0xb8;
	[tilespmem:$0x16200] =	vst v63  }
0x8f: {  	_ =	swait.ge [sflag:s9], $0x2800  }
0x90: {  	s15 =	sshrl.u32 s22, $0x3;
	[sflag:s9] =	ssyncset.done $0x0  }
0x91: {  	s12 =	sadd.s32 s1, s15;
	[sflag:s9] =	ssyncadd.s32 $0xFFFFD800  }
0x92: {  	[tilespmem:s3], [sflag:$0x1] =	stream.linear.gather [hbm4b:s12+s3], $0x50, $0x38;
	[tilespmem:$0x16200] =	vst v63  }
0x93: {  	_ =	swait.ge [sflag:s8], $0x50  }
0x94: {  	[sflag:s8] =	ssyncset.done $0x0  }
0x95: {  	[sflag:s8] =	ssyncadd.s32 $0xFFFFFFB0  }
0x96: {  	[spmem:s2] =	stream.indirect.scatter.add.f32 [tilespmem:s29], [sflag:$0x4], $0x80, s31, s6, $0xb8;
	[tilespmem:$0x16200] =	vst v63  }
0x97: {  	_ =	swait.ge [sflag:s7], $0x2800  }
0x98: {  	[sflag:s7] =	ssyncset.done $0x0  }
0x99: {  	s16 =	sadd.s32 $0x0, s21;
	[sflag:s7] =	ssyncadd.s32 $0xFFFFD800  }
0x9a: {  	[tilespmem:s31], [sflag:$0x2] =	stream.linear.gather [hbm4b:s16+s3], $0x50, $0x38;
	[tilespmem:$0x16200] =	vst v63  }
0x9b: {  	_ =	swait.ge [sflag:s30], $0x50  }
0x9c: {  	[sflag:s30] =	ssyncset.done $0x0  }
0x9d: {  	[sflag:s30] =	ssyncadd.s32 $0xFFFFFFB0  }
0x9e: {  	[spmem:s2] =	stream.indirect.scatter.add.f32 [tilespmem:s29], [sflag:$0x5], $0x80, s0, s6, $0xb8;
	[tilespmem:$0x16200] =	vst v63  }
0x9f: {  	_ =	swait.ge [sflag:s9], $0x2800  }
0xa0: {  	[sflag:s9] =	ssyncset.done $0x0  }
0xa1: {  	s17 =	sadd.s32 $0x0, s20;
	[sflag:s9] =	ssyncadd.s32 $0xFFFFD800  }
0xa2: {  	[tilespmem:s0], [sflag:$0x3] =	stream.linear.gather [hbm4b:s17+s3], $0x50, $0x38;
	[tilespmem:$0x16200] =	vst v63  }
0xa3: {  	_ =	swait.ge [sflag:s4], $0x50  }
0xa4: {  	[sflag:s4] =	ssyncset.done $0x0  }
0xa5: {  	s15 =	sadd.s32 $0x1E0, s22;
	s12 =	simm.s32 $0x3C;
	[sflag:s4] =	ssyncadd.s32 $0xFFFFFFB0  }
.LBB2_6:
0xa6: {  	[spmem:s2] =	stream.indirect.scatter.add.f32 [tilespmem:s29], [sflag:$0x4], $0x80, s3, s6, $0xb8;
	[tilespmem:$0x16200] =	vst v63  }
0xa7: {  	s16 =	smov.u32 s12  }
0xa8: {  	p1 =	sne.s32 s12, $0x474;
	s12 =	sadd.s32 $0x3C, s12;
	_ =	swait.ge [sflag:s7], $0x2800  }
0xa9: {  	[sflag:s7] =	ssyncset.done $0x0  }
0xaa: {  	s17 =	sadd.s32 s16, s25;
	[sflag:s7] =	ssyncadd.s32 $0xFFFFD800  }
0xab: {  	[tilespmem:s3], [sflag:$0x1] =	stream.linear.gather [hbm4b:s17+s3], $0x50, $0x38;
	[tilespmem:$0x16200] =	vst v63  }
0xac: {  	_ =	swait.ge [sflag:s8], $0x50  }
0xad: {  	[sflag:s8] =	ssyncset.done $0x0  }
0xae: {  	[sflag:s8] =	ssyncadd.s32 $0xFFFFFFB0  }
0xaf: {  	[spmem:s2] =	stream.indirect.scatter.add.f32 [tilespmem:s29], [sflag:$0x5], $0x80, s31, s6, $0xb8;
	[tilespmem:$0x16200] =	vst v63  }
0xb0: {  	_ =	swait.ge [sflag:s9], $0x2800  }
0xb1: {  	[sflag:s9] =	ssyncset.done $0x0  }
0xb2: {  	s17 =	sadd.s32 s16, s24;
	[sflag:s9] =	ssyncadd.s32 $0xFFFFD800  }
0xb3: {  	[tilespmem:s31], [sflag:$0x2] =	stream.linear.gather [hbm4b:s17+s3], $0x50, $0x38;
	[tilespmem:$0x16200] =	vst v63  }
0xb4: {  	_ =	swait.ge [sflag:s30], $0x50  }
0xb5: {  	[sflag:s30] =	ssyncset.done $0x0  }
0xb6: {  	[sflag:s30] =	ssyncadd.s32 $0xFFFFFFB0  }
0xb7: {  	[spmem:s2] =	stream.indirect.scatter.add.f32 [tilespmem:s29], [sflag:$0x4], $0x80, s0, s6, $0xb8;
	[tilespmem:$0x16200] =	vst v63  }
0xb8: {  	_ =	swait.ge [sflag:s7], $0x2800  }
0xb9: {  	[sflag:s7] =	ssyncset.done $0x0  }
0xba: {  	s17 =	sadd.s32 s16, s23;
	[sflag:s7] =	ssyncadd.s32 $0xFFFFD800  }
0xbb: {  	[tilespmem:s0], [sflag:$0x3] =	stream.linear.gather [hbm4b:s17+s3], $0x50, $0x38;
	[tilespmem:$0x16200] =	vst v63  }
0xbc: {  	_ =	swait.ge [sflag:s4], $0x50  }
0xbd: {  	[sflag:s4] =	ssyncset.done $0x0  }
0xbe: {  	[sflag:s4] =	ssyncadd.s32 $0xFFFFFFB0  }
0xbf: {  	[spmem:s2] =	stream.indirect.scatter.add.f32 [tilespmem:s29], [sflag:$0x5], $0x80, s3, s6, $0xb8;
	[tilespmem:$0x16200] =	vst v63  }
0xc0: {  	_ =	swait.ge [sflag:s9], $0x2800  }
0xc1: {  	s17 =	sshrl.u32 s15, $0x3;
	[sflag:s9] =	ssyncset.done $0x0  }
0xc2: {  	s17 =	sadd.s32 s1, s17;
	[sflag:s9] =	ssyncadd.s32 $0xFFFFD800  }
0xc3: {  	[tilespmem:s3], [sflag:$0x1] =	stream.linear.gather [hbm4b:s17+s3], $0x50, $0x38;
	[tilespmem:$0x16200] =	vst v63  }
0xc4: {  	_ =	swait.ge [sflag:s8], $0x50  }
0xc5: {  	[sflag:s8] =	ssyncset.done $0x0  }
0xc6: {  	[sflag:s8] =	ssyncadd.s32 $0xFFFFFFB0  }
0xc7: {  	[spmem:s2] =	stream.indirect.scatter.add.f32 [tilespmem:s29], [sflag:$0x4], $0x80, s31, s6, $0xb8;
	[tilespmem:$0x16200] =	vst v63  }
0xc8: {  	_ =	swait.ge [sflag:s7], $0x2800  }
0xc9: {  	[sflag:s7] =	ssyncset.done $0x0  }
0xca: {  	s17 =	sadd.s32 s16, s21;
	[sflag:s7] =	ssyncadd.s32 $0xFFFFD800  }
0xcb: {  	[tilespmem:s31], [sflag:$0x2] =	stream.linear.gather [hbm4b:s17+s3], $0x50, $0x38;
	[tilespmem:$0x16200] =	vst v63  }
0xcc: {  	_ =	swait.ge [sflag:s30], $0x50  }
0xcd: {  	[sflag:s30] =	ssyncset.done $0x0  }
0xce: {  	[sflag:s30] =	ssyncadd.s32 $0xFFFFFFB0  }
0xcf: {  	[spmem:s2] =	stream.indirect.scatter.add.f32 [tilespmem:s29], [sflag:$0x5], $0x80, s0, s6, $0xb8;
	[tilespmem:$0x16200] =	vst v63  }
0xd0: {  	_ =	swait.ge [sflag:s9], $0x2800  }
0xd1: {  	[sflag:s9] =	ssyncset.done $0x0  }
.Ltmp2:
0xd2: {  	s16 =	sadd.s32 s16, s20;
	[sflag:s9] =	ssyncadd.s32 $0xFFFFD800;
	(pc) =	sbr.rel @p1 .LBB2_6-.Ltmp2, $4  }
0xd3: {  	[tilespmem:s0], [sflag:$0x3] =	stream.linear.gather [hbm4b:s16+s3], $0x50, $0x38;
	[tilespmem:$0x16200] =	vst v63  }
0xd4: {  	_ =	swait.ge [sflag:s4], $0x50  }
0xd5: {  	[sflag:s4] =	ssyncset.done $0x0  }
0xd6: {  	s15 =	sadd.s32 $0x1E0, s15;
	[sflag:s4] =	ssyncadd.s32 $0xFFFFFFB0  }
0xd7: {  	[spmem:s2] =	stream.indirect.scatter.add.f32 [tilespmem:s29], [sflag:$0x4], $0x80, s3, s6, $0xb8;
	[tilespmem:$0x16200] =	vst v63  }
0xd8: {  	_ =	swait.ge [sflag:s7], $0x2800  }
0xd9: {  	[sflag:s7] =	ssyncset.done $0x0  }
0xda: {  	[sflag:s7] =	ssyncadd.s32 $0xFFFFD800  }
0xdb: {  	[tilespmem:s3], [sflag:$0x1] =	stream.linear.gather [hbm4b:s26+s3], $0x50, $0x38;
	[tilespmem:$0x16200] =	vst v63  }
0xdc: {  	_ =	swait.ge [sflag:s8], $0x50  }
0xdd: {  	[sflag:s8] =	ssyncset.done $0x0  }
0xde: {  	[sflag:s8] =	ssyncadd.s32 $0xFFFFFFB0  }
0xdf: {  	[spmem:s2] =	stream.indirect.scatter.add.f32 [tilespmem:s29], [sflag:$0x5], $0x80, s31, s6, $0xb8;
	[tilespmem:$0x16200] =	vst v63  }
0xe0: {  	_ =	swait.ge [sflag:s9], $0x2800  }
0xe1: {  	[sflag:s9] =	ssyncset.done $0x0  }
0xe2: {  	[sflag:s9] =	ssyncadd.s32 $0xFFFFD800  }
0xe3: {  	[tilespmem:s31], [sflag:$0x2] =	stream.linear.gather [hbm4b:s28+s3], $0x50, $0x38;
	[tilespmem:$0x16200] =	vst v63  }
0xe4: {  	_ =	swait.ge [sflag:s30], $0x50  }
0xe5: {  	[sflag:s30] =	ssyncset.done $0x0  }
0xe6: {  	[sflag:s30] =	ssyncadd.s32 $0xFFFFFFB0  }
0xe7: {  	[spmem:s2] =	stream.indirect.scatter.add.f32 [tilespmem:s29], [sflag:$0x4], $0x80, s0, s6, $0xb8;
	[tilespmem:$0x16200] =	vst v63  }
0xe8: {  	_ =	swait.ge [sflag:s7], $0x2800  }
0xe9: {  	[sflag:s7] =	ssyncset.done $0x0  }
0xea: {  	[sflag:s7] =	ssyncadd.s32 $0xFFFFD800  }
0xeb: {  	_ =	swait.ge [sflag:s4], $0x50  }
0xec: {  	[sflag:s4] =	ssyncset.done $0x0  }
0xed: {  	[sflag:s4] =	ssyncadd.s32 $0xFFFFFFB0  }
0xee: {  	[spmem:s2] =	stream.indirect.scatter.add.f32 [tilespmem:s29], [sflag:$0x5], $0x80, s3, s6, $0xb8;
	[tilespmem:$0x16200] =	vst v63  }
0xef: {  	_ =	swait.ge [sflag:s9], $0x2800  }
0xf0: {  	[sflag:s9] =	ssyncset.done $0x0  }
0xf1: {  	[sflag:s9] =	ssyncadd.s32 $0xFFFFD800  }
0xf2: {  	[spmem:s2] =	stream.indirect.scatter.add.f32 [tilespmem:s29], [sflag:$0x4], $0x80, s31, s6, $0xb8;
	[tilespmem:$0x16200] =	vst v63  }
0xf3: {  	_ =	swait.ge [sflag:s7], $0x2800  }
0xf4: {  	[sflag:s7] =	ssyncset.done $0x0  }
0xf5: {  	s12 =	stileid.u32;
	[sflag:s7] =	ssyncadd.s32 $0xFFFFD800  }
0xf6: {  	s12 =	sshll.u32 s12, $0x6;
	[bflag:$0x0] =	sbarrier.arrive $0xFFFF  }
0xf7: {  	s15 =	sshrl.u32 s5, $0x3;
	s12 =	sor.u32 $0x1C06, s12;
	s16 =	rddreg [dreg:$0xd]  }
0xf8: {  	[hbm:s16], [sflag:s12] =	dma.local [spmem:s15], $0x2700  }
0xf9: {  	_ =	swait.ge [sflag:s10], $0x2700  }
0xfa: {  	s11 =	sadd.s32 $0x1, s11;
	[sflag:s10] =	ssyncset.done $0x0  }
0xfb: {  	p1 =	sne.s32 s11, s19;
	s15 =	sshrl.u32 @!p0 s13, $0x3;
	[sflag:s10] =	ssyncadd.s32 $0xFFFFD900  }
0xfc: {  	[hbm:s18], [sflag:s12] =	dma.local @!p0 [spmem:s15], $0x100  }
.Ltmp3:
0xfd: {  	_ = 	snop;
	(pc) =	sbr.rel @p1 .LBB2_1-.Ltmp3, $4  }
0xfe: {  	s12 =	simm.s32 @!p0 $0x6  }
0xff: {  	_ =	swait.ge @!p0 [sflag:s12], $0x100  }
0x100: {  	[sflag:s12] =	ssyncset.done @!p0 $0x0  }
0x101: {  	[sflag:s12] =	ssyncadd.s32 @!p0 $0xFFFFFF00  }
0x102: {  	_ =	sfence.sel $0x180000  }
0x103: {  	[bflag:$0x0] =	sbarrier.arrive $0xFFFF  }
0x104: {  	_ =	strace $0x90000047  }
0x105: {  	[bflag:$0x2] =	sbarrier.arrive $0xFFFF  }
0x106: {  	s0 =	rddreg [dreg:$0x3]  }
0x107: {  	s0 =	sadd.s32 @!p0 $0x100000, s0  }
0x108: {  	[sflag:s0] =	ssyncadd.tile.s32 @!p0 $0x1;
	_ =	shalt  }
.Lfunc_end2:
_tile_overlayer_lowered:
.L_overlay_start_2:
0x109: {  	(tag) =	ssettag $0x2  }
0x10a: {  	s0 =	rddreg [dreg:$0x0];
	s2 =	stileid.u32  }
0x10b: {  	s1 =	rddreg [dreg:$0x1];
	p0 =	sne.s32 s2, $0x0  }
0x10c: {  	s3 =	rddreg [dreg:$0x2];
	[bflag:$0x3] =	sbarrier.arrive $0xFFFF;
	s2 =	simm.s32 @!p0 $0x1C06  }
0x10d: {  	[timem:s3], [sflag:s2] =	dma.local @!p0 [hbm:s0], s1  }
0x10e: {  	s0 =	simm.s32 @!p0 $0x6  }
0x10f: {  	_ =	swait.ge @!p0 [sflag:s0], s1  }
0x110: {  	s1 =	ssub.s32 @!p0 $0x0, s1;
	[sflag:s0] =	ssyncset.done @!p0 $0x0  }
0x111: {  	[sflag:s0] =	ssyncadd.s32 @!p0 s1  }
0x112: {  	[bflag:$0x3] =	sbarrier.arrive $0xFFFF  }
0x113: {  	_ =	shalt  }

</sc_bundles>
